<compile_context>
chip_gen: v7x
topology: tpu7x:2x2x1
jax: 0.10.2.dev20260603
libtpu: 0.0.44.dev20260713+nightly
codegen_flags: <defaults>
</compile_context>

<pallas_src>
import functools

import jax
import jax.numpy as jnp
from jax import lax
from jax.experimental import pallas as pl
from jax.experimental.pallas import tpu as pltpu
from jax.experimental.pallas import tpu_sc as plsc

N = 10000
E = 320000
IN_CH = 128
HID = 64
K = 16

NC, NS = 2, 16
NW = NC * NS
EPT = E // NW
CH = 125
NCHUNK = EPT // CH
NBUF = 8
GPRE = 4
DEGK = 8
RSTRIDE = 624
RLEN = 640
ZR = 160

@functools.cache
def _mesh():
    return plsc.VectorSubcoreMesh(
        core_axis_name="c", subcore_axis_name="s", num_cores=NC, num_subcores=NS)


@functools.cache
def _make_prop(D, spmem_table, nbuf=NBUF, gpre=GPRE):

    table_scratch = (
        [pltpu.VMEM_SHARED((N, D), jnp.float32)] if spmem_table else [])

    @functools.partial(
        pl.kernel,
        out_type=jax.ShapeDtypeStruct((NC, N, D), jnp.float32),
        mesh=_mesh(),
        compiler_params=pltpu.CompilerParams(use_tc_tiling_on_sc=False),
        scratch_types=[
            pltpu.VMEM((NCHUNK, CH), jnp.int32),
            pltpu.VMEM((NCHUNK, CH), jnp.int32),
            pltpu.VMEM((nbuf, CH, D), jnp.float32),
            pltpu.VMEM_SHARED((N, D), jnp.float32),
        ] + table_scratch + [
            pltpu.SemaphoreType.DMA((nbuf,)),
            pltpu.SemaphoreType.DMA((nbuf,)),
        ],
    )
    def prop(edges, g, zeros, out, src_v, dst_v, rows_v, acc_sh, *rest):
        if spmem_table:
            g_sh, gsems, ssems = rest
        else:
            gsems, ssems = rest
            g_sh = g
        c = lax.axis_index("c")
        s = lax.axis_index("s")
        wid = c * NS + s
        pltpu.sync_copy(edges.at[0, wid], src_v)
        pltpu.sync_copy(edges.at[1, wid], dst_v)
        r0 = s * RSTRIDE
        pltpu.sync_copy(zeros.at[pl.ds(r0, RLEN)], acc_sh.at[pl.ds(r0, RLEN)])
        if spmem_table:
            pltpu.sync_copy(g.at[pl.ds(r0, RLEN)], g_sh.at[pl.ds(r0, RLEN)])
        plsc.subcore_barrier()

        def _gather(j, slot):
            return pltpu.make_async_copy(
                g_sh.at[src_v.at[j]], rows_v.at[slot], gsems.at[slot])

        def _scatter(j, slot):
            return pltpu.make_async_copy(
                rows_v.at[slot], acc_sh.at[dst_v.at[j]], ssems.at[slot])

        for b in range(gpre):
            _gather(b, b).start()

        def body(j, carry):
            slot = lax.rem(j, nbuf)
            _gather(j, slot).wait()
            _scatter(j, slot).start(add=True)
            jn = j + gpre

            @pl.when(jn < NCHUNK)
            def _():
                nslot = lax.rem(jn, nbuf)

                @pl.when(jn >= nbuf)
                def _():
                    _scatter(jn - nbuf, nslot).wait()

                _gather(jn, nslot).start()

            return carry

        lax.fori_loop(0, NCHUNK, body, 0, unroll=False)
        for t in range(nbuf - gpre):
            jd = NCHUNK - (nbuf - gpre) + t
            _scatter(jd, jd % nbuf).wait()
        plsc.subcore_barrier()
        pltpu.sync_copy(acc_sh.at[pl.ds(r0, RLEN)], out.at[c, pl.ds(r0, RLEN)])

    return prop


@functools.cache
def _make_deg():
    @functools.partial(
        pl.kernel,
        out_type=jax.ShapeDtypeStruct((NC, N, K), jnp.float32),
        mesh=_mesh(),
        compiler_params=pltpu.CompilerParams(use_tc_tiling_on_sc=False),
        scratch_types=[
            pltpu.VMEM((NCHUNK, CH), jnp.int32),
            pltpu.VMEM((CH, K), jnp.float32),
            pltpu.VMEM_SHARED((N, K), jnp.float32),
            pltpu.SemaphoreType.DMA,
        ],
    )
    def deg(edges, ones, zeros, out, dst_v, ones_v, acc_sh, sem):
        c = lax.axis_index("c")
        s = lax.axis_index("s")
        wid = c * NS + s
        pltpu.sync_copy(edges.at[1, wid], dst_v)
        pltpu.sync_copy(ones, ones_v)
        r0 = s * RSTRIDE
        pltpu.sync_copy(zeros.at[pl.ds(r0, RLEN)], acc_sh.at[pl.ds(r0, RLEN)])
        plsc.subcore_barrier()

        def body(grp, carry):
            j0 = grp * DEGK
            for t in range(DEGK):
                pltpu.make_async_copy(
                    ones_v, acc_sh.at[dst_v.at[j0 + t]], sem).start(add=True)
            for t in range(DEGK):
                pltpu.make_async_copy(
                    ones_v, acc_sh.at[dst_v.at[j0 + t]], sem).wait()
            return carry

        lax.fori_loop(0, NCHUNK // DEGK, body, 0, unroll=False)
        plsc.subcore_barrier()
        pltpu.sync_copy(acc_sh.at[pl.ds(r0, RLEN)], out.at[c, pl.ds(r0, RLEN)])

    return deg


RB = 2000


def _u_of(degp0, degp1):
    deg = degp0[:, 0] + degp1[:, 0] + 1.0
    return lax.rsqrt(deg)


def _g1_body(x_ref, w_ref, degp_ref, g1_ref):
    u = _u_of(degp_ref[0], degp_ref[1])
    hw = jnp.dot(x_ref[...], w_ref[...], preferred_element_type=jnp.float32,
                 precision=lax.Precision.DEFAULT)
    g1_ref[...] = hw * u[:, None]


def _mid_body(s1p_ref, g1_ref, degp_ref, b1_ref, w2_ref, g2_ref):
    u = _u_of(degp_ref[0], degp_ref[1])
    h1 = u[:, None] * (s1p_ref[0] + s1p_ref[1] + g1_ref[...]) + b1_ref[...]
    h1 = jnp.maximum(h1, 0.0)
    hw2 = jnp.dot(h1, w2_ref[...], preferred_element_type=jnp.float32,
                  precision=lax.Precision.DEFAULT)
    g2_ref[...] = hw2 * u[:, None]


def _out_body(s2p_ref, g2_ref, degp_ref, b2_ref, o_ref):
    u = _u_of(degp_ref[0], degp_ref[1])
    logits = u[:, None] * (s2p_ref[0] + s2p_ref[1] + g2_ref[...]) + b2_ref[...]
    m = jnp.max(logits, axis=1, keepdims=True)
    e = jnp.exp(logits - m)
    o_ref[...] = e / jnp.sum(e, axis=1, keepdims=True)


def kernel(x, edge_index, adj, W1, b1, W2, b2):
    del adj
    er = edge_index.astype(jnp.int32).reshape(2, NW, NCHUNK, CH)
    z16 = jnp.zeros((N, K), jnp.float32)
    z64 = jnp.zeros((N, HID), jnp.float32)
    ones = jnp.ones((CH, K), jnp.float32)

    degp = _make_deg()(er, ones, z16)

    grid = (N // RB,)
    g1 = pl.pallas_call(
        _g1_body,
        grid=grid,
        in_specs=[
            pl.BlockSpec((RB, IN_CH), lambda i: (i, 0)),
            pl.BlockSpec((IN_CH, HID), lambda i: (0, 0)),
            pl.BlockSpec((NC, RB, K), lambda i: (0, i, 0)),
        ],
        out_specs=pl.BlockSpec((RB, HID), lambda i: (i, 0)),
        out_shape=jax.ShapeDtypeStruct((N, HID), jnp.float32),
    )(x, W1, degp)

    s1p = _make_prop(HID, False)(er, g1, z64)

    g2 = pl.pallas_call(
        _mid_body,
        grid=grid,
        in_specs=[
            pl.BlockSpec((NC, RB, HID), lambda i: (0, i, 0)),
            pl.BlockSpec((RB, HID), lambda i: (i, 0)),
            pl.BlockSpec((NC, RB, K), lambda i: (0, i, 0)),
            pl.BlockSpec((HID,), lambda i: (0,)),
            pl.BlockSpec((HID, K), lambda i: (0, 0)),
        ],
        out_specs=pl.BlockSpec((RB, K), lambda i: (i, 0)),
        out_shape=jax.ShapeDtypeStruct((N, K), jnp.float32),
    )(s1p, g1, degp, b1, W2)

    s2p = _make_prop(K, True)(er, g2, z16)

    out = pl.pallas_call(
        _out_body,
        grid=grid,
        in_specs=[
            pl.BlockSpec((NC, RB, K), lambda i: (0, i, 0)),
            pl.BlockSpec((RB, K), lambda i: (i, 0)),
            pl.BlockSpec((NC, RB, K), lambda i: (0, i, 0)),
            pl.BlockSpec((K,), lambda i: (0,)),
        ],
        out_specs=pl.BlockSpec((RB, K), lambda i: (i, 0)),
        out_shape=jax.ShapeDtypeStruct((N, K), jnp.float32),
    )(s2p, g2, degp, b2)
    return out

# --- scband reference (transcript-rebuilt; emitter-appended) ---
"""Pipeline reference for scband-dmo-n-27831388078434 (READ-ONLY COPY).

The authoritative reference and input builder live on the scoring server;
editing this copy changes nothing except your own understanding.
"""

import jax, jax.numpy as jnp
import numpy as np

N_NODES = 10000
N_EDGES = 320000
IN_CH = 128
HID_CH = 64
N_CLUSTERS = 16


def gcn_conv(x, edge_index, W, b, num_nodes):
    # GCNConv: D^{-1/2} (A + I) D^{-1/2} X W + b
    src = edge_index[0]
    dst = edge_index[1]
    loop = jnp.arange(num_nodes, dtype=src.dtype)
    src = jnp.concatenate([src, loop])
    dst = jnp.concatenate([dst, loop])
    deg = jnp.zeros((num_nodes,), dtype=x.dtype).at[dst].add(1.0)
    deg_inv_sqrt = jnp.where(deg > 0, deg ** -0.5, 0.0)
    norm = deg_inv_sqrt[src] * deg_inv_sqrt[dst]
    h = x @ W
    msg = h[src] * norm[:, None]
    out = jnp.zeros((num_nodes, W.shape[1]), dtype=x.dtype).at[dst].add(msg)
    return out + b


def setup_inputs(seed: int = 0) -> dict:
    key = jax.random.key(seed)
    k1, k2, k3, k4, k5, k6, k7 = jax.random.split(key, 7)
    x = jax.random.normal(k1, (N_NODES, IN_CH), dtype=jnp.float32)
    edge_index = jax.random.randint(k2, (2, N_EDGES), 0, N_NODES)
    adj = jax.random.uniform(k3, (N_NODES, N_NODES), dtype=jnp.float32)
    s1 = (1.0 / IN_CH) ** 0.5
    W1 = jax.random.uniform(k4, (IN_CH, HID_CH), dtype=jnp.float32, minval=-s1, maxval=s1)
    b1 = jnp.zeros((HID_CH,), dtype=jnp.float32)
    s2 = (1.0 / HID_CH) ** 0.5
    W2 = jax.random.uniform(k5, (HID_CH, N_CLUSTERS), dtype=jnp.float32, minval=-s2, maxval=s2)
    b2 = jnp.zeros((N_CLUSTERS,), dtype=jnp.float32)
    return {"x": x, "edge_index": edge_index, "adj": adj, "W1": W1, "b1": b1, "W2": W2, "b2": b2}


def reference(x, edge_index, adj, W1, b1, W2, b2):
    h = jax.nn.relu(gcn_conv(x, edge_index, W1, b1, N_NODES))
    logits = gcn_conv(h, edge_index, W2, b2, N_NODES)
    soft_assign = jax.nn.softmax(logits, axis=1)
    return soft_assign

if __name__ == "__main__":
    import jax
    _d = setup_inputs()
    print(jax.jit(kernel)(*tuple(_d.values())))

</pallas_src>

<mosaic_0001>
#map = affine_map<(d0, d1) -> (0, 0, 0, 0)>
#map1 = affine_map<(d0, d1) -> (0, 0)>
#map2 = affine_map<(d0, d1) -> (0, 0, 0)>
module attributes {stable_mosaic.version = 14 : i64} {
  func.func @prop(%arg0: i32, %arg1: i32, %arg2: memref<2x32x80x125xi32, #tpu.memory_space<hbm>>, %arg3: memref<10000x16xf32, #tpu.memory_space<hbm>>, %arg4: memref<10000x16xf32, #tpu.memory_space<hbm>>, %arg5: memref<2x10000x16xf32, #tpu.memory_space<hbm>>, %arg6: memref<80x125xi32, #tpu.memory_space<vmem>>, %arg7: memref<80x125xi32, #tpu.memory_space<vmem>>, %arg8: memref<8x125x16xf32, #tpu.memory_space<vmem>>, %arg9: memref<10000x16xf32, #tpu.memory_space<vmem_shared>>, %arg10: memref<10000x16xf32, #tpu.memory_space<vmem_shared>>, %arg11: memref<8x!tpu.dma_semaphore, #tpu.memory_space<semaphore_mem>>, %arg12: memref<8x!tpu.dma_semaphore, #tpu.memory_space<semaphore_mem>>) attributes {dimension_semantics = [#tpu.dimension_semantics<core_parallel>, #tpu.dimension_semantics<subcore_parallel>], iteration_bounds = array<i64: 2, 16>, scalar_prefetch = 0 : i64, scratch_operands = 7 : i64, tpu.core_type = #tpu.core_type<sc_vector_subcore>, window_params = [{transform_indices = #map}, {transform_indices = #map1}, {transform_indices = #map1}, {transform_indices = #map2}]} {
    %mul3A = arith.constant 16 : i32
    %mul3A_0 = arith.muli %arg0, %mul3A : i32
    %add3A = arith.addi %mul3A_0, %arg1 : i32
    %run_scoped3A = arith.constant 0 : i32
    "tpu.region"() ({
      %run_scoped3A_128 = tpu.sem_alloc : memref<!tpu.dma_semaphore, #tpu.memory_space<semaphore_mem>>
      %dma_start3A_129 = arith.constant 0 : i32
      %dma_start3A_130 = arith.constant 0 : i32
      %dma_start3A_131 = tpu.memref_slice %arg2[%run_scoped3A, %add3A, %dma_start3A_129, %dma_start3A_130] : memref<2x32x80x125xi32, #tpu.memory_space<hbm>> -> memref<1x1x80x125xi32, #tpu.memory_space<hbm>>
      %dma_start3A_132 = tpu.memref_squeeze %dma_start3A_131 : memref<1x1x80x125xi32, #tpu.memory_space<hbm>> -> memref<80x125xi32, #tpu.memory_space<hbm>>
      %dma_start3A_133 = arith.constant 0 : i32
      %dma_start3A_134 = arith.constant 0 : i32
      %dma_start3A_135 = tpu.memref_slice %arg2[%run_scoped3A, %add3A, %dma_start3A_133, %dma_start3A_134] : memref<2x32x80x125xi32, #tpu.memory_space<hbm>> -> memref<1x1x80x125xi32, #tpu.memory_space<hbm>>
      %dma_start3A_136 = tpu.memref_squeeze %dma_start3A_135 : memref<1x1x80x125xi32, #tpu.memory_space<hbm>> -> memref<80x125xi32, #tpu.memory_space<hbm>>
      tpu.enqueue_dma source(%dma_start3A_136 : memref<80x125xi32, #tpu.memory_space<hbm>>) target(%arg6 : memref<80x125xi32, #tpu.memory_space<vmem>>) target_semaphore(%run_scoped3A_128 : memref<!tpu.dma_semaphore, #tpu.memory_space<semaphore_mem>>)
      %dma_wait3A_137 = arith.constant 0 : i32
      %dma_wait3A_138 = arith.constant 0 : i32
      %dma_wait3A_139 = tpu.memref_slice %arg2[%run_scoped3A, %add3A, %dma_wait3A_137, %dma_wait3A_138] : memref<2x32x80x125xi32, #tpu.memory_space<hbm>> -> memref<1x1x80x125xi32, #tpu.memory_space<hbm>>
      %dma_wait3A_140 = tpu.memref_squeeze %dma_wait3A_139 : memref<1x1x80x125xi32, #tpu.memory_space<hbm>> -> memref<80x125xi32, #tpu.memory_space<hbm>>
      %dma_wait3A_141 = arith.constant 0 : i32
      %dma_wait3A_142 = arith.constant 0 : i32
      %dma_wait3A_143 = tpu.memref_slice %arg2[%run_scoped3A, %add3A, %dma_wait3A_141, %dma_wait3A_142] : memref<2x32x80x125xi32, #tpu.memory_space<hbm>> -> memref<1x1x80x125xi32, #tpu.memory_space<hbm>>
      %dma_wait3A_144 = tpu.memref_squeeze %dma_wait3A_143 : memref<1x1x80x125xi32, #tpu.memory_space<hbm>> -> memref<80x125xi32, #tpu.memory_space<hbm>>
      tpu.wait_dma2 semaphore(%run_scoped3A_128 : memref<!tpu.dma_semaphore, #tpu.memory_space<semaphore_mem>>) src(%dma_wait3A_144 : memref<80x125xi32, #tpu.memory_space<hbm>>) dst(%arg6 : memref<80x125xi32, #tpu.memory_space<vmem>>)
      tpu.yield
    }) : () -> ()
    %run_scoped3A_1 = arith.constant 1 : i32
    "tpu.region"() ({
      %run_scoped3A_128 = tpu.sem_alloc : memref<!tpu.dma_semaphore, #tpu.memory_space<semaphore_mem>>
      %dma_start3A_129 = arith.constant 0 : i32
      %dma_start3A_130 = arith.constant 0 : i32
      %dma_start3A_131 = tpu.memref_slice %arg2[%run_scoped3A_1, %add3A, %dma_start3A_129, %dma_start3A_130] : memref<2x32x80x125xi32, #tpu.memory_space<hbm>> -> memref<1x1x80x125xi32, #tpu.memory_space<hbm>>
      %dma_start3A_132 = tpu.memref_squeeze %dma_start3A_131 : memref<1x1x80x125xi32, #tpu.memory_space<hbm>> -> memref<80x125xi32, #tpu.memory_space<hbm>>
      %dma_start3A_133 = arith.constant 0 : i32
      %dma_start3A_134 = arith.constant 0 : i32
      %dma_start3A_135 = tpu.memref_slice %arg2[%run_scoped3A_1, %add3A, %dma_start3A_133, %dma_start3A_134] : memref<2x32x80x125xi32, #tpu.memory_space<hbm>> -> memref<1x1x80x125xi32, #tpu.memory_space<hbm>>
      %dma_start3A_136 = tpu.memref_squeeze %dma_start3A_135 : memref<1x1x80x125xi32, #tpu.memory_space<hbm>> -> memref<80x125xi32, #tpu.memory_space<hbm>>
      tpu.enqueue_dma source(%dma_start3A_136 : memref<80x125xi32, #tpu.memory_space<hbm>>) target(%arg7 : memref<80x125xi32, #tpu.memory_space<vmem>>) target_semaphore(%run_scoped3A_128 : memref<!tpu.dma_semaphore, #tpu.memory_space<semaphore_mem>>)
      %dma_wait3A_137 = arith.constant 0 : i32
      %dma_wait3A_138 = arith.constant 0 : i32
      %dma_wait3A_139 = tpu.memref_slice %arg2[%run_scoped3A_1, %add3A, %dma_wait3A_137, %dma_wait3A_138] : memref<2x32x80x125xi32, #tpu.memory_space<hbm>> -> memref<1x1x80x125xi32, #tpu.memory_space<hbm>>
      %dma_wait3A_140 = tpu.memref_squeeze %dma_wait3A_139 : memref<1x1x80x125xi32, #tpu.memory_space<hbm>> -> memref<80x125xi32, #tpu.memory_space<hbm>>
      %dma_wait3A_141 = arith.constant 0 : i32
      %dma_wait3A_142 = arith.constant 0 : i32
      %dma_wait3A_143 = tpu.memref_slice %arg2[%run_scoped3A_1, %add3A, %dma_wait3A_141, %dma_wait3A_142] : memref<2x32x80x125xi32, #tpu.memory_space<hbm>> -> memref<1x1x80x125xi32, #tpu.memory_space<hbm>>
      %dma_wait3A_144 = tpu.memref_squeeze %dma_wait3A_143 : memref<1x1x80x125xi32, #tpu.memory_space<hbm>> -> memref<80x125xi32, #tpu.memory_space<hbm>>
      tpu.wait_dma2 semaphore(%run_scoped3A_128 : memref<!tpu.dma_semaphore, #tpu.memory_space<semaphore_mem>>) src(%dma_wait3A_144 : memref<80x125xi32, #tpu.memory_space<hbm>>) dst(%arg7 : memref<80x125xi32, #tpu.memory_space<vmem>>)
      tpu.yield
    }) : () -> ()
    %mul3A_2 = arith.constant 624 : i32
    %mul3A_3 = arith.muli %arg1, %mul3A_2 : i32
    "tpu.region"() ({
      %run_scoped3A_128 = tpu.sem_alloc : memref<!tpu.dma_semaphore, #tpu.memory_space<semaphore_mem>>
      %dma_start3A_129 = arith.constant 0 : i32
      %dma_start3A_130 = tpu.memref_slice %arg9[%mul3A_3, %dma_start3A_129] : memref<10000x16xf32, #tpu.memory_space<vmem_shared>> -> memref<640x16xf32, #tpu.memory_space<vmem_shared>>
      %dma_start3A_131 = arith.constant 0 : i32
      %dma_start3A_132 = tpu.memref_slice %arg4[%mul3A_3, %dma_start3A_131] : memref<10000x16xf32, #tpu.memory_space<hbm>> -> memref<640x16xf32, #tpu.memory_space<hbm>>
      tpu.enqueue_dma source(%dma_start3A_132 : memref<640x16xf32, #tpu.memory_space<hbm>>) target(%dma_start3A_130 : memref<640x16xf32, #tpu.memory_space<vmem_shared>>) target_semaphore(%run_scoped3A_128 : memref<!tpu.dma_semaphore, #tpu.memory_space<semaphore_mem>>)
      %dma_wait3A_133 = arith.constant 0 : i32
      %dma_wait3A_134 = tpu.memref_slice %arg9[%mul3A_3, %dma_wait3A_133] : memref<10000x16xf32, #tpu.memory_space<vmem_shared>> -> memref<640x16xf32, #tpu.memory_space<vmem_shared>>
      %dma_wait3A_135 = arith.constant 0 : i32
      %dma_wait3A_136 = tpu.memref_slice %arg4[%mul3A_3, %dma_wait3A_135] : memref<10000x16xf32, #tpu.memory_space<hbm>> -> memref<640x16xf32, #tpu.memory_space<hbm>>
      tpu.wait_dma2 semaphore(%run_scoped3A_128 : memref<!tpu.dma_semaphore, #tpu.memory_space<semaphore_mem>>) src(%dma_wait3A_136 : memref<640x16xf32, #tpu.memory_space<hbm>>) dst(%dma_wait3A_134 : memref<640x16xf32, #tpu.memory_space<vmem_shared>>)
      tpu.yield
    }) : () -> ()
    "tpu.region"() ({
      %run_scoped3A_128 = tpu.sem_alloc : memref<!tpu.dma_semaphore, #tpu.memory_space<semaphore_mem>>
      %dma_start3A_129 = arith.constant 0 : i32
      %dma_start3A_130 = tpu.memref_slice %arg10[%mul3A_3, %dma_start3A_129] : memref<10000x16xf32, #tpu.memory_space<vmem_shared>> -> memref<640x16xf32, #tpu.memory_space<vmem_shared>>
      %dma_start3A_131 = arith.constant 0 : i32
      %dma_start3A_132 = tpu.memref_slice %arg3[%mul3A_3, %dma_start3A_131] : memref<10000x16xf32, #tpu.memory_space<hbm>> -> memref<640x16xf32, #tpu.memory_space<hbm>>
      tpu.enqueue_dma source(%dma_start3A_132 : memref<640x16xf32, #tpu.memory_space<hbm>>) target(%dma_start3A_130 : memref<640x16xf32, #tpu.memory_space<vmem_shared>>) target_semaphore(%run_scoped3A_128 : memref<!tpu.dma_semaphore, #tpu.memory_space<semaphore_mem>>)
      %dma_wait3A_133 = arith.constant 0 : i32
      %dma_wait3A_134 = tpu.memref_slice %arg10[%mul3A_3, %dma_wait3A_133] : memref<10000x16xf32, #tpu.memory_space<vmem_shared>> -> memref<640x16xf32, #tpu.memory_space<vmem_shared>>
      %dma_wait3A_135 = arith.constant 0 : i32
      %dma_wait3A_136 = tpu.memref_slice %arg3[%mul3A_3, %dma_wait3A_135] : memref<10000x16xf32, #tpu.memory_space<hbm>> -> memref<640x16xf32, #tpu.memory_space<hbm>>
      tpu.wait_dma2 semaphore(%run_scoped3A_128 : memref<!tpu.dma_semaphore, #tpu.memory_space<semaphore_mem>>) src(%dma_wait3A_136 : memref<640x16xf32, #tpu.memory_space<hbm>>) dst(%dma_wait3A_134 : memref<640x16xf32, #tpu.memory_space<vmem_shared>>)
      tpu.yield
    }) : () -> ()
    %barrier3A = arith.constant 0 : index
    tpu.barrier barrier_id(%barrier3A)
    %dma_start3A = arith.constant 0 : i32
    %dma_start3A_4 = arith.constant 0 : i32
    %dma_start3A_5 = arith.constant 0 : i32
    %dma_start3A_6 = arith.constant 0 : i32
    %dma_start3A_7 = arith.constant 0 : i32
    %dma_start3A_8 = tpu.memref_slice %arg8[%dma_start3A_4, %dma_start3A_6, %dma_start3A_7] : memref<8x125x16xf32, #tpu.memory_space<vmem>> -> memref<1x125x16xf32, #tpu.memory_space<vmem>>
    %dma_start3A_9 = tpu.memref_squeeze %dma_start3A_8 : memref<1x125x16xf32, #tpu.memory_space<vmem>> -> memref<125x16xf32, #tpu.memory_space<vmem>>
    %dma_start3A_10 = arith.constant 0 : i32
    %dma_start3A_11 = tpu.memref_slice %arg6[%dma_start3A, %dma_start3A_10] : memref<80x125xi32, #tpu.memory_space<vmem>> -> memref<1x125xi32, #tpu.memory_space<vmem>>
    %dma_start3A_12 = tpu.memref_squeeze %dma_start3A_11 : memref<1x125xi32, #tpu.memory_space<vmem>> -> memref<125xi32, #tpu.memory_space<vmem>>
    %dma_start3A_13 = arith.constant 0 : i32
    %dma_start3A_14 = arith.constant 0 : i32
    %dma_start3A_15 = tpu.memref_slice %arg10[%dma_start3A_13, %dma_start3A_14] : memref<10000x16xf32, #tpu.memory_space<vmem_shared>> -> memref<10000x16xf32, #tpu.memory_space<vmem_shared>>
    %dma_start3A_16 = tpu.memref_slice %arg11[%dma_start3A_5] : memref<8x!tpu.dma_semaphore, #tpu.memory_space<semaphore_mem>> -> memref<1x!tpu.dma_semaphore, #tpu.memory_space<semaphore_mem>>
    %dma_start3A_17 = tpu.memref_squeeze %dma_start3A_16 : memref<1x!tpu.dma_semaphore, #tpu.memory_space<semaphore_mem>> -> memref<!tpu.dma_semaphore, #tpu.memory_space<semaphore_mem>>
    tpu.enqueue_indirect_dma source(%dma_start3A_15 : memref<10000x16xf32, #tpu.memory_space<vmem_shared>>) target(%dma_start3A_9 : memref<125x16xf32, #tpu.memory_space<vmem>>) offsets(%dma_start3A_12 : memref<125xi32, #tpu.memory_space<vmem>>) semaphore(%dma_start3A_17 : memref<!tpu.dma_semaphore, #tpu.memory_space<semaphore_mem>>)
    %dma_start3A_18 = arith.constant 1 : i32
    %dma_start3A_19 = arith.constant 1 : i32
    %dma_start3A_20 = arith.constant 1 : i32
    %dma_start3A_21 = arith.constant 0 : i32
    %dma_start3A_22 = arith.constant 0 : i32
    %dma_start3A_23 = tpu.memref_slice %arg8[%dma_start3A_19, %dma_start3A_21, %dma_start3A_22] : memref<8x125x16xf32, #tpu.memory_space<vmem>> -> memref<1x125x16xf32, #tpu.memory_space<vmem>>
    %dma_start3A_24 = tpu.memref_squeeze %dma_start3A_23 : memref<1x125x16xf32, #tpu.memory_space<vmem>> -> memref<125x16xf32, #tpu.memory_space<vmem>>
    %dma_start3A_25 = arith.constant 0 : i32
    %dma_start3A_26 = tpu.memref_slice %arg6[%dma_start3A_18, %dma_start3A_25] : memref<80x125xi32, #tpu.memory_space<vmem>> -> memref<1x125xi32, #tpu.memory_space<vmem>>
    %dma_start3A_27 = tpu.memref_squeeze %dma_start3A_26 : memref<1x125xi32, #tpu.memory_space<vmem>> -> memref<125xi32, #tpu.memory_space<vmem>>
    %dma_start3A_28 = arith.constant 0 : i32
    %dma_start3A_29 = arith.constant 0 : i32
    %dma_start3A_30 = tpu.memref_slice %arg10[%dma_start3A_28, %dma_start3A_29] : memref<10000x16xf32, #tpu.memory_space<vmem_shared>> -> memref<10000x16xf32, #tpu.memory_space<vmem_shared>>
    %dma_start3A_31 = tpu.memref_slice %arg11[%dma_start3A_20] : memref<8x!tpu.dma_semaphore, #tpu.memory_space<semaphore_mem>> -> memref<1x!tpu.dma_semaphore, #tpu.memory_space<semaphore_mem>>
    %dma_start3A_32 = tpu.memref_squeeze %dma_start3A_31 : memref<1x!tpu.dma_semaphore, #tpu.memory_space<semaphore_mem>> -> memref<!tpu.dma_semaphore, #tpu.memory_space<semaphore_mem>>
    tpu.enqueue_indirect_dma source(%dma_start3A_30 : memref<10000x16xf32, #tpu.memory_space<vmem_shared>>) target(%dma_start3A_24 : memref<125x16xf32, #tpu.memory_space<vmem>>) offsets(%dma_start3A_27 : memref<125xi32, #tpu.memory_space<vmem>>) semaphore(%dma_start3A_32 : memref<!tpu.dma_semaphore, #tpu.memory_space<semaphore_mem>>)
    %dma_start3A_33 = arith.constant 2 : i32
    %dma_start3A_34 = arith.constant 2 : i32
    %dma_start3A_35 = arith.constant 2 : i32
    %dma_start3A_36 = arith.constant 0 : i32
    %dma_start3A_37 = arith.constant 0 : i32
    %dma_start3A_38 = tpu.memref_slice %arg8[%dma_start3A_34, %dma_start3A_36, %dma_start3A_37] : memref<8x125x16xf32, #tpu.memory_space<vmem>> -> memref<1x125x16xf32, #tpu.memory_space<vmem>>
    %dma_start3A_39 = tpu.memref_squeeze %dma_start3A_38 : memref<1x125x16xf32, #tpu.memory_space<vmem>> -> memref<125x16xf32, #tpu.memory_space<vmem>>
    %dma_start3A_40 = arith.constant 0 : i32
    %dma_start3A_41 = tpu.memref_slice %arg6[%dma_start3A_33, %dma_start3A_40] : memref<80x125xi32, #tpu.memory_space<vmem>> -> memref<1x125xi32, #tpu.memory_space<vmem>>
    %dma_start3A_42 = tpu.memref_squeeze %dma_start3A_41 : memref<1x125xi32, #tpu.memory_space<vmem>> -> memref<125xi32, #tpu.memory_space<vmem>>
    %dma_start3A_43 = arith.constant 0 : i32
    %dma_start3A_44 = arith.constant 0 : i32
    %dma_start3A_45 = tpu.memref_slice %arg10[%dma_start3A_43, %dma_start3A_44] : memref<10000x16xf32, #tpu.memory_space<vmem_shared>> -> memref<10000x16xf32, #tpu.memory_space<vmem_shared>>
    %dma_start3A_46 = tpu.memref_slice %arg11[%dma_start3A_35] : memref<8x!tpu.dma_semaphore, #tpu.memory_space<semaphore_mem>> -> memref<1x!tpu.dma_semaphore, #tpu.memory_space<semaphore_mem>>
    %dma_start3A_47 = tpu.memref_squeeze %dma_start3A_46 : memref<1x!tpu.dma_semaphore, #tpu.memory_space<semaphore_mem>> -> memref<!tpu.dma_semaphore, #tpu.memory_space<semaphore_mem>>
    tpu.enqueue_indirect_dma source(%dma_start3A_45 : memref<10000x16xf32, #tpu.memory_space<vmem_shared>>) target(%dma_start3A_39 : memref<125x16xf32, #tpu.memory_space<vmem>>) offsets(%dma_start3A_42 : memref<125xi32, #tpu.memory_space<vmem>>) semaphore(%dma_start3A_47 : memref<!tpu.dma_semaphore, #tpu.memory_space<semaphore_mem>>)
    %dma_start3A_48 = arith.constant 3 : i32
    %dma_start3A_49 = arith.constant 3 : i32
    %dma_start3A_50 = arith.constant 3 : i32
    %dma_start3A_51 = arith.constant 0 : i32
    %dma_start3A_52 = arith.constant 0 : i32
    %dma_start3A_53 = tpu.memref_slice %arg8[%dma_start3A_49, %dma_start3A_51, %dma_start3A_52] : memref<8x125x16xf32, #tpu.memory_space<vmem>> -> memref<1x125x16xf32, #tpu.memory_space<vmem>>
    %dma_start3A_54 = tpu.memref_squeeze %dma_start3A_53 : memref<1x125x16xf32, #tpu.memory_space<vmem>> -> memref<125x16xf32, #tpu.memory_space<vmem>>
    %dma_start3A_55 = arith.constant 0 : i32
    %dma_start3A_56 = tpu.memref_slice %arg6[%dma_start3A_48, %dma_start3A_55] : memref<80x125xi32, #tpu.memory_space<vmem>> -> memref<1x125xi32, #tpu.memory_space<vmem>>
    %dma_start3A_57 = tpu.memref_squeeze %dma_start3A_56 : memref<1x125xi32, #tpu.memory_space<vmem>> -> memref<125xi32, #tpu.memory_space<vmem>>
    %dma_start3A_58 = arith.constant 0 : i32
    %dma_start3A_59 = arith.constant 0 : i32
    %dma_start3A_60 = tpu.memref_slice %arg10[%dma_start3A_58, %dma_start3A_59] : memref<10000x16xf32, #tpu.memory_space<vmem_shared>> -> memref<10000x16xf32, #tpu.memory_space<vmem_shared>>
    %dma_start3A_61 = tpu.memref_slice %arg11[%dma_start3A_50] : memref<8x!tpu.dma_semaphore, #tpu.memory_space<semaphore_mem>> -> memref<1x!tpu.dma_semaphore, #tpu.memory_space<semaphore_mem>>
    %dma_start3A_62 = tpu.memref_squeeze %dma_start3A_61 : memref<1x!tpu.dma_semaphore, #tpu.memory_space<semaphore_mem>> -> memref<!tpu.dma_semaphore, #tpu.memory_space<semaphore_mem>>
    tpu.enqueue_indirect_dma source(%dma_start3A_60 : memref<10000x16xf32, #tpu.memory_space<vmem_shared>>) target(%dma_start3A_54 : memref<125x16xf32, #tpu.memory_space<vmem>>) offsets(%dma_start3A_57 : memref<125xi32, #tpu.memory_space<vmem>>) semaphore(%dma_start3A_62 : memref<!tpu.dma_semaphore, #tpu.memory_space<semaphore_mem>>)
    %scan3A = arith.constant 0 : i32
    %scan3A_63 = arith.constant 0 : i32
    %scan3A_64 = arith.constant 80 : i32
    %scan3A_65 = arith.addi %scan3A_63, %scan3A_64 : i32
    %scan3A_66 = arith.constant 1 : i32
    scf.for %scan3A_128 = %scan3A_63 to %scan3A_65 step %scan3A_66  : i32 {
      %rem3A = arith.constant 8 : i32
      %rem3A_129 = arith.remsi %scan3A_128, %rem3A : i32
      %dma_wait3A_130 = arith.constant 0 : i32
      %dma_wait3A_131 = arith.constant 0 : i32
      %dma_wait3A_132 = tpu.memref_slice %arg8[%rem3A_129, %dma_wait3A_130, %dma_wait3A_131] : memref<8x125x16xf32, #tpu.memory_space<vmem>> -> memref<1x125x16xf32, #tpu.memory_space<vmem>>
      %dma_wait3A_133 = tpu.memref_squeeze %dma_wait3A_132 : memref<1x125x16xf32, #tpu.memory_space<vmem>> -> memref<125x16xf32, #tpu.memory_space<vmem>>
      %dma_wait3A_134 = arith.constant 0 : i32
      %dma_wait3A_135 = tpu.memref_slice %arg6[%scan3A_128, %dma_wait3A_134] : memref<80x125xi32, #tpu.memory_space<vmem>> -> memref<1x125xi32, #tpu.memory_space<vmem>>
      %dma_wait3A_136 = tpu.memref_squeeze %dma_wait3A_135 : memref<1x125xi32, #tpu.memory_space<vmem>> -> memref<125xi32, #tpu.memory_space<vmem>>
      %dma_wait3A_137 = arith.constant 0 : i32
      %dma_wait3A_138 = arith.constant 0 : i32
      %dma_wait3A_139 = tpu.memref_slice %arg10[%dma_wait3A_137, %dma_wait3A_138] : memref<10000x16xf32, #tpu.memory_space<vmem_shared>> -> memref<10000x16xf32, #tpu.memory_space<vmem_shared>>
      %dma_wait3A_140 = tpu.memref_slice %arg11[%rem3A_129] : memref<8x!tpu.dma_semaphore, #tpu.memory_space<semaphore_mem>> -> memref<1x!tpu.dma_semaphore, #tpu.memory_space<semaphore_mem>>
      %dma_wait3A_141 = tpu.memref_squeeze %dma_wait3A_140 : memref<1x!tpu.dma_semaphore, #tpu.memory_space<semaphore_mem>> -> memref<!tpu.dma_semaphore, #tpu.memory_space<semaphore_mem>>
      tpu.wait_indirect_dma semaphore(%dma_wait3A_141 : memref<!tpu.dma_semaphore, #tpu.memory_space<semaphore_mem>>) src(%dma_wait3A_139 : memref<10000x16xf32, #tpu.memory_space<vmem_shared>>) dst(%dma_wait3A_133 : memref<125x16xf32, #tpu.memory_space<vmem>>)
      %dma_start3A_142 = arith.constant 0 : i32
      %dma_start3A_143 = arith.constant 0 : i32
      %dma_start3A_144 = tpu.memref_slice %arg8[%rem3A_129, %dma_start3A_142, %dma_start3A_143] : memref<8x125x16xf32, #tpu.memory_space<vmem>> -> memref<1x125x16xf32, #tpu.memory_space<vmem>>
      %dma_start3A_145 = tpu.memref_squeeze %dma_start3A_144 : memref<1x125x16xf32, #tpu.memory_space<vmem>> -> memref<125x16xf32, #tpu.memory_space<vmem>>
      %dma_start3A_146 = arith.constant 0 : i32
      %dma_start3A_147 = tpu.memref_slice %arg7[%scan3A_128, %dma_start3A_146] : memref<80x125xi32, #tpu.memory_space<vmem>> -> memref<1x125xi32, #tpu.memory_space<vmem>>
      %dma_start3A_148 = tpu.memref_squeeze %dma_start3A_147 : memref<1x125xi32, #tpu.memory_space<vmem>> -> memref<125xi32, #tpu.memory_space<vmem>>
      %dma_start3A_149 = arith.constant 0 : i32
      %dma_start3A_150 = arith.constant 0 : i32
      %dma_start3A_151 = tpu.memref_slice %arg9[%dma_start3A_149, %dma_start3A_150] : memref<10000x16xf32, #tpu.memory_space<vmem_shared>> -> memref<10000x16xf32, #tpu.memory_space<vmem_shared>>
      %dma_start3A_152 = tpu.memref_slice %arg12[%rem3A_129] : memref<8x!tpu.dma_semaphore, #tpu.memory_space<semaphore_mem>> -> memref<1x!tpu.dma_semaphore, #tpu.memory_space<semaphore_mem>>
      %dma_start3A_153 = tpu.memref_squeeze %dma_start3A_152 : memref<1x!tpu.dma_semaphore, #tpu.memory_space<semaphore_mem>> -> memref<!tpu.dma_semaphore, #tpu.memory_space<semaphore_mem>>
      tpu.enqueue_indirect_dma source(%dma_start3A_145 : memref<125x16xf32, #tpu.memory_space<vmem>>) target(%dma_start3A_151 : memref<10000x16xf32, #tpu.memory_space<vmem_shared>>) offsets(%dma_start3A_148 : memref<125xi32, #tpu.memory_space<vmem>>) semaphore(%dma_start3A_153 : memref<!tpu.dma_semaphore, #tpu.memory_space<semaphore_mem>>) {add = true}
      %add3A_154 = arith.constant 4 : i32
      %add3A_155 = arith.addi %scan3A_128, %add3A_154 : i32
      %lt3A = arith.constant 80 : i32
      %lt3A_156 = arith.cmpi slt, %add3A_155, %lt3A : i32
      %convert_element_type3A = arith.extui %lt3A_156 : i1 to i32
      %cond3A = arith.constant 0 : i32
      %cond3A_157 = arith.cmpi ne, %convert_element_type3A, %cond3A : i32
      scf.if %cond3A_157 {
        %rem3A_158 = arith.constant 8 : i32
        %rem3A_159 = arith.remsi %add3A_155, %rem3A_158 : i32
        %ge3A = arith.constant 8 : i32
        %ge3A_160 = arith.cmpi sge, %add3A_155, %ge3A : i32
        %convert_element_type3A_161 = arith.extui %ge3A_160 : i1 to i32
        %cond3A_162 = arith.constant 0 : i32
        %cond3A_163 = arith.cmpi ne, %convert_element_type3A_161, %cond3A_162 : i32
        scf.if %cond3A_163 {
          %sub3A = arith.constant 8 : i32
          %sub3A_176 = arith.subi %add3A_155, %sub3A : i32
          %dma_wait3A_177 = arith.constant 0 : i32
          %dma_wait3A_178 = arith.constant 0 : i32
          %dma_wait3A_179 = tpu.memref_slice %arg8[%rem3A_159, %dma_wait3A_177, %dma_wait3A_178] : memref<8x125x16xf32, #tpu.memory_space<vmem>> -> memref<1x125x16xf32, #tpu.memory_space<vmem>>
          %dma_wait3A_180 = tpu.memref_squeeze %dma_wait3A_179 : memref<1x125x16xf32, #tpu.memory_space<vmem>> -> memref<125x16xf32, #tpu.memory_space<vmem>>
          %dma_wait3A_181 = arith.constant 0 : i32
          %dma_wait3A_182 = tpu.memref_slice %arg7[%sub3A_176, %dma_wait3A_181] : memref<80x125xi32, #tpu.memory_space<vmem>> -> memref<1x125xi32, #tpu.memory_space<vmem>>
          %dma_wait3A_183 = tpu.memref_squeeze %dma_wait3A_182 : memref<1x125xi32, #tpu.memory_space<vmem>> -> memref<125xi32, #tpu.memory_space<vmem>>
          %dma_wait3A_184 = arith.constant 0 : i32
          %dma_wait3A_185 = arith.constant 0 : i32
          %dma_wait3A_186 = tpu.memref_slice %arg9[%dma_wait3A_184, %dma_wait3A_185] : memref<10000x16xf32, #tpu.memory_space<vmem_shared>> -> memref<10000x16xf32, #tpu.memory_space<vmem_shared>>
          %dma_wait3A_187 = tpu.memref_slice %arg12[%rem3A_159] : memref<8x!tpu.dma_semaphore, #tpu.memory_space<semaphore_mem>> -> memref<1x!tpu.dma_semaphore, #tpu.memory_space<semaphore_mem>>
          %dma_wait3A_188 = tpu.memref_squeeze %dma_wait3A_187 : memref<1x!tpu.dma_semaphore, #tpu.memory_space<semaphore_mem>> -> memref<!tpu.dma_semaphore, #tpu.memory_space<semaphore_mem>>
          tpu.wait_indirect_dma semaphore(%dma_wait3A_188 : memref<!tpu.dma_semaphore, #tpu.memory_space<semaphore_mem>>) src(%dma_wait3A_180 : memref<125x16xf32, #tpu.memory_space<vmem>>) dst(%dma_wait3A_186 : memref<10000x16xf32, #tpu.memory_space<vmem_shared>>)
        } else {
        }
        %dma_start3A_164 = arith.constant 0 : i32
        %dma_start3A_165 = arith.constant 0 : i32
        %dma_start3A_166 = tpu.memref_slice %arg8[%rem3A_159, %dma_start3A_164, %dma_start3A_165] : memref<8x125x16xf32, #tpu.memory_space<vmem>> -> memref<1x125x16xf32, #tpu.memory_space<vmem>>
        %dma_start3A_167 = tpu.memref_squeeze %dma_start3A_166 : memref<1x125x16xf32, #tpu.memory_space<vmem>> -> memref<125x16xf32, #tpu.memory_space<vmem>>
        %dma_start3A_168 = arith.constant 0 : i32
        %dma_start3A_169 = tpu.memref_slice %arg6[%add3A_155, %dma_start3A_168] : memref<80x125xi32, #tpu.memory_space<vmem>> -> memref<1x125xi32, #tpu.memory_space<vmem>>
        %dma_start3A_170 = tpu.memref_squeeze %dma_start3A_169 : memref<1x125xi32, #tpu.memory_space<vmem>> -> memref<125xi32, #tpu.memory_space<vmem>>
        %dma_start3A_171 = arith.constant 0 : i32
        %dma_start3A_172 = arith.constant 0 : i32
        %dma_start3A_173 = tpu.memref_slice %arg10[%dma_start3A_171, %dma_start3A_172] : memref<10000x16xf32, #tpu.memory_space<vmem_shared>> -> memref<10000x16xf32, #tpu.memory_space<vmem_shared>>
        %dma_start3A_174 = tpu.memref_slice %arg11[%rem3A_159] : memref<8x!tpu.dma_semaphore, #tpu.memory_space<semaphore_mem>> -> memref<1x!tpu.dma_semaphore, #tpu.memory_space<semaphore_mem>>
        %dma_start3A_175 = tpu.memref_squeeze %dma_start3A_174 : memref<1x!tpu.dma_semaphore, #tpu.memory_space<semaphore_mem>> -> memref<!tpu.dma_semaphore, #tpu.memory_space<semaphore_mem>>
        tpu.enqueue_indirect_dma source(%dma_start3A_173 : memref<10000x16xf32, #tpu.memory_space<vmem_shared>>) target(%dma_start3A_167 : memref<125x16xf32, #tpu.memory_space<vmem>>) offsets(%dma_start3A_170 : memref<125xi32, #tpu.memory_space<vmem>>) semaphore(%dma_start3A_175 : memref<!tpu.dma_semaphore, #tpu.memory_space<semaphore_mem>>)
      } else {
      }
    }
    %scan3A_67 = arith.constant 80 : i32
    %dma_wait3A = arith.constant 4 : i32
    %dma_wait3A_68 = arith.constant 76 : i32
    %dma_wait3A_69 = arith.constant 4 : i32
    %dma_wait3A_70 = arith.constant 0 : i32
    %dma_wait3A_71 = arith.constant 0 : i32
    %dma_wait3A_72 = tpu.memref_slice %arg8[%dma_wait3A, %dma_wait3A_70, %dma_wait3A_71] : memref<8x125x16xf32, #tpu.memory_space<vmem>> -> memref<1x125x16xf32, #tpu.memory_space<vmem>>
    %dma_wait3A_73 = tpu.memref_squeeze %dma_wait3A_72 : memref<1x125x16xf32, #tpu.memory_space<vmem>> -> memref<125x16xf32, #tpu.memory_space<vmem>>
    %dma_wait3A_74 = arith.constant 0 : i32
    %dma_wait3A_75 = tpu.memref_slice %arg7[%dma_wait3A_68, %dma_wait3A_74] : memref<80x125xi32, #tpu.memory_space<vmem>> -> memref<1x125xi32, #tpu.memory_space<vmem>>
    %dma_wait3A_76 = tpu.memref_squeeze %dma_wait3A_75 : memref<1x125xi32, #tpu.memory_space<vmem>> -> memref<125xi32, #tpu.memory_space<vmem>>
    %dma_wait3A_77 = arith.constant 0 : i32
    %dma_wait3A_78 = arith.constant 0 : i32
    %dma_wait3A_79 = tpu.memref_slice %arg9[%dma_wait3A_77, %dma_wait3A_78] : memref<10000x16xf32, #tpu.memory_space<vmem_shared>> -> memref<10000x16xf32, #tpu.memory_space<vmem_shared>>
    %dma_wait3A_80 = tpu.memref_slice %arg12[%dma_wait3A_69] : memref<8x!tpu.dma_semaphore, #tpu.memory_space<semaphore_mem>> -> memref<1x!tpu.dma_semaphore, #tpu.memory_space<semaphore_mem>>
    %dma_wait3A_81 = tpu.memref_squeeze %dma_wait3A_80 : memref<1x!tpu.dma_semaphore, #tpu.memory_space<semaphore_mem>> -> memref<!tpu.dma_semaphore, #tpu.memory_space<semaphore_mem>>
    tpu.wait_indirect_dma semaphore(%dma_wait3A_81 : memref<!tpu.dma_semaphore, #tpu.memory_space<semaphore_mem>>) src(%dma_wait3A_73 : memref<125x16xf32, #tpu.memory_space<vmem>>) dst(%dma_wait3A_79 : memref<10000x16xf32, #tpu.memory_space<vmem_shared>>)
    %dma_wait3A_82 = arith.constant 5 : i32
    %dma_wait3A_83 = arith.constant 77 : i32
    %dma_wait3A_84 = arith.constant 5 : i32
    %dma_wait3A_85 = arith.constant 0 : i32
    %dma_wait3A_86 = arith.constant 0 : i32
    %dma_wait3A_87 = tpu.memref_slice %arg8[%dma_wait3A_82, %dma_wait3A_85, %dma_wait3A_86] : memref<8x125x16xf32, #tpu.memory_space<vmem>> -> memref<1x125x16xf32, #tpu.memory_space<vmem>>
    %dma_wait3A_88 = tpu.memref_squeeze %dma_wait3A_87 : memref<1x125x16xf32, #tpu.memory_space<vmem>> -> memref<125x16xf32, #tpu.memory_space<vmem>>
    %dma_wait3A_89 = arith.constant 0 : i32
    %dma_wait3A_90 = tpu.memref_slice %arg7[%dma_wait3A_83, %dma_wait3A_89] : memref<80x125xi32, #tpu.memory_space<vmem>> -> memref<1x125xi32, #tpu.memory_space<vmem>>
    %dma_wait3A_91 = tpu.memref_squeeze %dma_wait3A_90 : memref<1x125xi32, #tpu.memory_space<vmem>> -> memref<125xi32, #tpu.memory_space<vmem>>
    %dma_wait3A_92 = arith.constant 0 : i32
    %dma_wait3A_93 = arith.constant 0 : i32
    %dma_wait3A_94 = tpu.memref_slice %arg9[%dma_wait3A_92, %dma_wait3A_93] : memref<10000x16xf32, #tpu.memory_space<vmem_shared>> -> memref<10000x16xf32, #tpu.memory_space<vmem_shared>>
    %dma_wait3A_95 = tpu.memref_slice %arg12[%dma_wait3A_84] : memref<8x!tpu.dma_semaphore, #tpu.memory_space<semaphore_mem>> -> memref<1x!tpu.dma_semaphore, #tpu.memory_space<semaphore_mem>>
    %dma_wait3A_96 = tpu.memref_squeeze %dma_wait3A_95 : memref<1x!tpu.dma_semaphore, #tpu.memory_space<semaphore_mem>> -> memref<!tpu.dma_semaphore, #tpu.memory_space<semaphore_mem>>
    tpu.wait_indirect_dma semaphore(%dma_wait3A_96 : memref<!tpu.dma_semaphore, #tpu.memory_space<semaphore_mem>>) src(%dma_wait3A_88 : memref<125x16xf32, #tpu.memory_space<vmem>>) dst(%dma_wait3A_94 : memref<10000x16xf32, #tpu.memory_space<vmem_shared>>)
    %dma_wait3A_97 = arith.constant 6 : i32
    %dma_wait3A_98 = arith.constant 78 : i32
    %dma_wait3A_99 = arith.constant 6 : i32
    %dma_wait3A_100 = arith.constant 0 : i32
    %dma_wait3A_101 = arith.constant 0 : i32
    %dma_wait3A_102 = tpu.memref_slice %arg8[%dma_wait3A_97, %dma_wait3A_100, %dma_wait3A_101] : memref<8x125x16xf32, #tpu.memory_space<vmem>> -> memref<1x125x16xf32, #tpu.memory_space<vmem>>
    %dma_wait3A_103 = tpu.memref_squeeze %dma_wait3A_102 : memref<1x125x16xf32, #tpu.memory_space<vmem>> -> memref<125x16xf32, #tpu.memory_space<vmem>>
    %dma_wait3A_104 = arith.constant 0 : i32
    %dma_wait3A_105 = tpu.memref_slice %arg7[%dma_wait3A_98, %dma_wait3A_104] : memref<80x125xi32, #tpu.memory_space<vmem>> -> memref<1x125xi32, #tpu.memory_space<vmem>>
    %dma_wait3A_106 = tpu.memref_squeeze %dma_wait3A_105 : memref<1x125xi32, #tpu.memory_space<vmem>> -> memref<125xi32, #tpu.memory_space<vmem>>
    %dma_wait3A_107 = arith.constant 0 : i32
    %dma_wait3A_108 = arith.constant 0 : i32
    %dma_wait3A_109 = tpu.memref_slice %arg9[%dma_wait3A_107, %dma_wait3A_108] : memref<10000x16xf32, #tpu.memory_space<vmem_shared>> -> memref<10000x16xf32, #tpu.memory_space<vmem_shared>>
    %dma_wait3A_110 = tpu.memref_slice %arg12[%dma_wait3A_99] : memref<8x!tpu.dma_semaphore, #tpu.memory_space<semaphore_mem>> -> memref<1x!tpu.dma_semaphore, #tpu.memory_space<semaphore_mem>>
    %dma_wait3A_111 = tpu.memref_squeeze %dma_wait3A_110 : memref<1x!tpu.dma_semaphore, #tpu.memory_space<semaphore_mem>> -> memref<!tpu.dma_semaphore, #tpu.memory_space<semaphore_mem>>
    tpu.wait_indirect_dma semaphore(%dma_wait3A_111 : memref<!tpu.dma_semaphore, #tpu.memory_space<semaphore_mem>>) src(%dma_wait3A_103 : memref<125x16xf32, #tpu.memory_space<vmem>>) dst(%dma_wait3A_109 : memref<10000x16xf32, #tpu.memory_space<vmem_shared>>)
    %dma_wait3A_112 = arith.constant 7 : i32
    %dma_wait3A_113 = arith.constant 79 : i32
    %dma_wait3A_114 = arith.constant 7 : i32
    %dma_wait3A_115 = arith.constant 0 : i32
    %dma_wait3A_116 = arith.constant 0 : i32
    %dma_wait3A_117 = tpu.memref_slice %arg8[%dma_wait3A_112, %dma_wait3A_115, %dma_wait3A_116] : memref<8x125x16xf32, #tpu.memory_space<vmem>> -> memref<1x125x16xf32, #tpu.memory_space<vmem>>
    %dma_wait3A_118 = tpu.memref_squeeze %dma_wait3A_117 : memref<1x125x16xf32, #tpu.memory_space<vmem>> -> memref<125x16xf32, #tpu.memory_space<vmem>>
    %dma_wait3A_119 = arith.constant 0 : i32
    %dma_wait3A_120 = tpu.memref_slice %arg7[%dma_wait3A_113, %dma_wait3A_119] : memref<80x125xi32, #tpu.memory_space<vmem>> -> memref<1x125xi32, #tpu.memory_space<vmem>>
    %dma_wait3A_121 = tpu.memref_squeeze %dma_wait3A_120 : memref<1x125xi32, #tpu.memory_space<vmem>> -> memref<125xi32, #tpu.memory_space<vmem>>
    %dma_wait3A_122 = arith.constant 0 : i32
    %dma_wait3A_123 = arith.constant 0 : i32
    %dma_wait3A_124 = tpu.memref_slice %arg9[%dma_wait3A_122, %dma_wait3A_123] : memref<10000x16xf32, #tpu.memory_space<vmem_shared>> -> memref<10000x16xf32, #tpu.memory_space<vmem_shared>>
    %dma_wait3A_125 = tpu.memref_slice %arg12[%dma_wait3A_114] : memref<8x!tpu.dma_semaphore, #tpu.memory_space<semaphore_mem>> -> memref<1x!tpu.dma_semaphore, #tpu.memory_space<semaphore_mem>>
    %dma_wait3A_126 = tpu.memref_squeeze %dma_wait3A_125 : memref<1x!tpu.dma_semaphore, #tpu.memory_space<semaphore_mem>> -> memref<!tpu.dma_semaphore, #tpu.memory_space<semaphore_mem>>
    tpu.wait_indirect_dma semaphore(%dma_wait3A_126 : memref<!tpu.dma_semaphore, #tpu.memory_space<semaphore_mem>>) src(%dma_wait3A_118 : memref<125x16xf32, #tpu.memory_space<vmem>>) dst(%dma_wait3A_124 : memref<10000x16xf32, #tpu.memory_space<vmem_shared>>)
    %barrier3A_127 = arith.constant 0 : index
    tpu.barrier barrier_id(%barrier3A_127)
    "tpu.region"() ({
      %run_scoped3A_128 = tpu.sem_alloc : memref<!tpu.dma_semaphore, #tpu.memory_space<semaphore_mem>>
      %dma_start3A_129 = arith.constant 0 : i32
      %dma_start3A_130 = tpu.memref_slice %arg5[%arg0, %mul3A_3, %dma_start3A_129] : memref<2x10000x16xf32, #tpu.memory_space<hbm>> -> memref<1x640x16xf32, #tpu.memory_space<hbm>>
      %dma_start3A_131 = tpu.memref_squeeze %dma_start3A_130 : memref<1x640x16xf32, #tpu.memory_space<hbm>> -> memref<640x16xf32, #tpu.memory_space<hbm>>
      %dma_start3A_132 = arith.constant 0 : i32
      %dma_start3A_133 = tpu.memref_slice %arg9[%mul3A_3, %dma_start3A_132] : memref<10000x16xf32, #tpu.memory_space<vmem_shared>> -> memref<640x16xf32, #tpu.memory_space<vmem_shared>>
      tpu.enqueue_dma source(%dma_start3A_133 : memref<640x16xf32, #tpu.memory_space<vmem_shared>>) target(%dma_start3A_131 : memref<640x16xf32, #tpu.memory_space<hbm>>) target_semaphore(%run_scoped3A_128 : memref<!tpu.dma_semaphore, #tpu.memory_space<semaphore_mem>>)
      %dma_wait3A_134 = arith.constant 0 : i32
      %dma_wait3A_135 = tpu.memref_slice %arg5[%arg0, %mul3A_3, %dma_wait3A_134] : memref<2x10000x16xf32, #tpu.memory_space<hbm>> -> memref<1x640x16xf32, #tpu.memory_space<hbm>>
      %dma_wait3A_136 = tpu.memref_squeeze %dma_wait3A_135 : memref<1x640x16xf32, #tpu.memory_space<hbm>> -> memref<640x16xf32, #tpu.memory_space<hbm>>
      %dma_wait3A_137 = arith.constant 0 : i32
      %dma_wait3A_138 = tpu.memref_slice %arg9[%mul3A_3, %dma_wait3A_137] : memref<10000x16xf32, #tpu.memory_space<vmem_shared>> -> memref<640x16xf32, #tpu.memory_space<vmem_shared>>
      tpu.wait_dma2 semaphore(%run_scoped3A_128 : memref<!tpu.dma_semaphore, #tpu.memory_space<semaphore_mem>>) src(%dma_wait3A_138 : memref<640x16xf32, #tpu.memory_space<vmem_shared>>) dst(%dma_wait3A_136 : memref<640x16xf32, #tpu.memory_space<hbm>>)
      tpu.yield
    }) : () -> ()
    return
  }
}

#map = affine_map<(d0, d1) -> (0, 0, 0, 0)>
#map1 = affine_map<(d0, d1) -> (0, 0)>
#map2 = affine_map<(d0, d1) -> (0, 0, 0)>
module attributes {stable_mosaic.version = 14 : i64} {
  func.func @deg(%arg0: i32, %arg1: i32, %arg2: memref<2x32x80x125xi32, #tpu.memory_space<hbm>>, %arg3: memref<125x16xf32, #tpu.memory_space<hbm>>, %arg4: memref<10000x16xf32, #tpu.memory_space<hbm>>, %arg5: memref<2x10000x16xf32, #tpu.memory_space<hbm>>, %arg6: memref<80x125xi32, #tpu.memory_space<vmem>>, %arg7: memref<125x16xf32, #tpu.memory_space<vmem>>, %arg8: memref<10000x16xf32, #tpu.memory_space<vmem_shared>>, %arg9: memref<!tpu.dma_semaphore, #tpu.memory_space<semaphore_mem>>) attributes {dimension_semantics = [#tpu.dimension_semantics<core_parallel>, #tpu.dimension_semantics<subcore_parallel>], iteration_bounds = array<i64: 2, 16>, scalar_prefetch = 0 : i64, scratch_operands = 4 : i64, tpu.core_type = #tpu.core_type<sc_vector_subcore>, window_params = [{transform_indices = #map}, {transform_indices = #map1}, {transform_indices = #map1}, {transform_indices = #map2}]} {
    %mul3A = arith.constant 16 : i32
    %mul3A_0 = arith.muli %arg0, %mul3A : i32
    %add3A = arith.addi %mul3A_0, %arg1 : i32
    %run_scoped3A = arith.constant 1 : i32
    "tpu.region"() ({
      %run_scoped3A_9 = tpu.sem_alloc : memref<!tpu.dma_semaphore, #tpu.memory_space<semaphore_mem>>
      %dma_start3A = arith.constant 0 : i32
      %dma_start3A_10 = arith.constant 0 : i32
      %dma_start3A_11 = tpu.memref_slice %arg2[%run_scoped3A, %add3A, %dma_start3A, %dma_start3A_10] : memref<2x32x80x125xi32, #tpu.memory_space<hbm>> -> memref<1x1x80x125xi32, #tpu.memory_space<hbm>>
      %dma_start3A_12 = tpu.memref_squeeze %dma_start3A_11 : memref<1x1x80x125xi32, #tpu.memory_space<hbm>> -> memref<80x125xi32, #tpu.memory_space<hbm>>
      %dma_start3A_13 = arith.constant 0 : i32
      %dma_start3A_14 = arith.constant 0 : i32
      %dma_start3A_15 = tpu.memref_slice %arg2[%run_scoped3A, %add3A, %dma_start3A_13, %dma_start3A_14] : memref<2x32x80x125xi32, #tpu.memory_space<hbm>> -> memref<1x1x80x125xi32, #tpu.memory_space<hbm>>
      %dma_start3A_16 = tpu.memref_squeeze %dma_start3A_15 : memref<1x1x80x125xi32, #tpu.memory_space<hbm>> -> memref<80x125xi32, #tpu.memory_space<hbm>>
      tpu.enqueue_dma source(%dma_start3A_16 : memref<80x125xi32, #tpu.memory_space<hbm>>) target(%arg6 : memref<80x125xi32, #tpu.memory_space<vmem>>) target_semaphore(%run_scoped3A_9 : memref<!tpu.dma_semaphore, #tpu.memory_space<semaphore_mem>>)
      %dma_wait3A = arith.constant 0 : i32
      %dma_wait3A_17 = arith.constant 0 : i32
      %dma_wait3A_18 = tpu.memref_slice %arg2[%run_scoped3A, %add3A, %dma_wait3A, %dma_wait3A_17] : memref<2x32x80x125xi32, #tpu.memory_space<hbm>> -> memref<1x1x80x125xi32, #tpu.memory_space<hbm>>
      %dma_wait3A_19 = tpu.memref_squeeze %dma_wait3A_18 : memref<1x1x80x125xi32, #tpu.memory_space<hbm>> -> memref<80x125xi32, #tpu.memory_space<hbm>>
      %dma_wait3A_20 = arith.constant 0 : i32
      %dma_wait3A_21 = arith.constant 0 : i32
      %dma_wait3A_22 = tpu.memref_slice %arg2[%run_scoped3A, %add3A, %dma_wait3A_20, %dma_wait3A_21] : memref<2x32x80x125xi32, #tpu.memory_space<hbm>> -> memref<1x1x80x125xi32, #tpu.memory_space<hbm>>
      %dma_wait3A_23 = tpu.memref_squeeze %dma_wait3A_22 : memref<1x1x80x125xi32, #tpu.memory_space<hbm>> -> memref<80x125xi32, #tpu.memory_space<hbm>>
      tpu.wait_dma2 semaphore(%run_scoped3A_9 : memref<!tpu.dma_semaphore, #tpu.memory_space<semaphore_mem>>) src(%dma_wait3A_23 : memref<80x125xi32, #tpu.memory_space<hbm>>) dst(%arg6 : memref<80x125xi32, #tpu.memory_space<vmem>>)
      tpu.yield
    }) : () -> ()
    "tpu.region"() ({
      %run_scoped3A_9 = tpu.sem_alloc : memref<!tpu.dma_semaphore, #tpu.memory_space<semaphore_mem>>
      tpu.enqueue_dma source(%arg3 : memref<125x16xf32, #tpu.memory_space<hbm>>) target(%arg7 : memref<125x16xf32, #tpu.memory_space<vmem>>) target_semaphore(%run_scoped3A_9 : memref<!tpu.dma_semaphore, #tpu.memory_space<semaphore_mem>>)
      tpu.wait_dma2 semaphore(%run_scoped3A_9 : memref<!tpu.dma_semaphore, #tpu.memory_space<semaphore_mem>>) src(%arg3 : memref<125x16xf32, #tpu.memory_space<hbm>>) dst(%arg7 : memref<125x16xf32, #tpu.memory_space<vmem>>)
      tpu.yield
    }) : () -> ()
    %mul3A_1 = arith.constant 624 : i32
    %mul3A_2 = arith.muli %arg1, %mul3A_1 : i32
    "tpu.region"() ({
      %run_scoped3A_9 = tpu.sem_alloc : memref<!tpu.dma_semaphore, #tpu.memory_space<semaphore_mem>>
      %dma_start3A = arith.constant 0 : i32
      %dma_start3A_10 = tpu.memref_slice %arg8[%mul3A_2, %dma_start3A] : memref<10000x16xf32, #tpu.memory_space<vmem_shared>> -> memref<640x16xf32, #tpu.memory_space<vmem_shared>>
      %dma_start3A_11 = arith.constant 0 : i32
      %dma_start3A_12 = tpu.memref_slice %arg4[%mul3A_2, %dma_start3A_11] : memref<10000x16xf32, #tpu.memory_space<hbm>> -> memref<640x16xf32, #tpu.memory_space<hbm>>
      tpu.enqueue_dma source(%dma_start3A_12 : memref<640x16xf32, #tpu.memory_space<hbm>>) target(%dma_start3A_10 : memref<640x16xf32, #tpu.memory_space<vmem_shared>>) target_semaphore(%run_scoped3A_9 : memref<!tpu.dma_semaphore, #tpu.memory_space<semaphore_mem>>)
      %dma_wait3A = arith.constant 0 : i32
      %dma_wait3A_13 = tpu.memref_slice %arg8[%mul3A_2, %dma_wait3A] : memref<10000x16xf32, #tpu.memory_space<vmem_shared>> -> memref<640x16xf32, #tpu.memory_space<vmem_shared>>
      %dma_wait3A_14 = arith.constant 0 : i32
      %dma_wait3A_15 = tpu.memref_slice %arg4[%mul3A_2, %dma_wait3A_14] : memref<10000x16xf32, #tpu.memory_space<hbm>> -> memref<640x16xf32, #tpu.memory_space<hbm>>
      tpu.wait_dma2 semaphore(%run_scoped3A_9 : memref<!tpu.dma_semaphore, #tpu.memory_space<semaphore_mem>>) src(%dma_wait3A_15 : memref<640x16xf32, #tpu.memory_space<hbm>>) dst(%dma_wait3A_13 : memref<640x16xf32, #tpu.memory_space<vmem_shared>>)
      tpu.yield
    }) : () -> ()
    %barrier3A = arith.constant 0 : index
    tpu.barrier barrier_id(%barrier3A)
    %scan3A = arith.constant 0 : i32
    %scan3A_3 = arith.constant 0 : i32
    %scan3A_4 = arith.constant 10 : i32
    %scan3A_5 = arith.addi %scan3A_3, %scan3A_4 : i32
    %scan3A_6 = arith.constant 1 : i32
    scf.for %scan3A_9 = %scan3A_3 to %scan3A_5 step %scan3A_6  : i32 {
      %mul3A_10 = arith.constant 8 : i32
      %mul3A_11 = arith.muli %scan3A_9, %mul3A_10 : i32
      %add3A_12 = arith.constant 0 : i32
      %add3A_13 = arith.addi %mul3A_11, %add3A_12 : i32
      %dma_start3A = arith.constant 0 : i32
      %dma_start3A_14 = tpu.memref_slice %arg6[%add3A_13, %dma_start3A] : memref<80x125xi32, #tpu.memory_space<vmem>> -> memref<1x125xi32, #tpu.memory_space<vmem>>
      %dma_start3A_15 = tpu.memref_squeeze %dma_start3A_14 : memref<1x125xi32, #tpu.memory_space<vmem>> -> memref<125xi32, #tpu.memory_space<vmem>>
      %dma_start3A_16 = arith.constant 0 : i32
      %dma_start3A_17 = arith.constant 0 : i32
      %dma_start3A_18 = tpu.memref_slice %arg8[%dma_start3A_16, %dma_start3A_17] : memref<10000x16xf32, #tpu.memory_space<vmem_shared>> -> memref<10000x16xf32, #tpu.memory_space<vmem_shared>>
      tpu.enqueue_indirect_dma source(%arg7 : memref<125x16xf32, #tpu.memory_space<vmem>>) target(%dma_start3A_18 : memref<10000x16xf32, #tpu.memory_space<vmem_shared>>) offsets(%dma_start3A_15 : memref<125xi32, #tpu.memory_space<vmem>>) semaphore(%arg9 : memref<!tpu.dma_semaphore, #tpu.memory_space<semaphore_mem>>) {add = true}
      %add3A_19 = arith.constant 1 : i32
      %add3A_20 = arith.addi %mul3A_11, %add3A_19 : i32
      %dma_start3A_21 = arith.constant 0 : i32
      %dma_start3A_22 = tpu.memref_slice %arg6[%add3A_20, %dma_start3A_21] : memref<80x125xi32, #tpu.memory_space<vmem>> -> memref<1x125xi32, #tpu.memory_space<vmem>>
      %dma_start3A_23 = tpu.memref_squeeze %dma_start3A_22 : memref<1x125xi32, #tpu.memory_space<vmem>> -> memref<125xi32, #tpu.memory_space<vmem>>
      %dma_start3A_24 = arith.constant 0 : i32
      %dma_start3A_25 = arith.constant 0 : i32
      %dma_start3A_26 = tpu.memref_slice %arg8[%dma_start3A_24, %dma_start3A_25] : memref<10000x16xf32, #tpu.memory_space<vmem_shared>> -> memref<10000x16xf32, #tpu.memory_space<vmem_shared>>
      tpu.enqueue_indirect_dma source(%arg7 : memref<125x16xf32, #tpu.memory_space<vmem>>) target(%dma_start3A_26 : memref<10000x16xf32, #tpu.memory_space<vmem_shared>>) offsets(%dma_start3A_23 : memref<125xi32, #tpu.memory_space<vmem>>) semaphore(%arg9 : memref<!tpu.dma_semaphore, #tpu.memory_space<semaphore_mem>>) {add = true}
      %add3A_27 = arith.constant 2 : i32
      %add3A_28 = arith.addi %mul3A_11, %add3A_27 : i32
      %dma_start3A_29 = arith.constant 0 : i32
      %dma_start3A_30 = tpu.memref_slice %arg6[%add3A_28, %dma_start3A_29] : memref<80x125xi32, #tpu.memory_space<vmem>> -> memref<1x125xi32, #tpu.memory_space<vmem>>
      %dma_start3A_31 = tpu.memref_squeeze %dma_start3A_30 : memref<1x125xi32, #tpu.memory_space<vmem>> -> memref<125xi32, #tpu.memory_space<vmem>>
      %dma_start3A_32 = arith.constant 0 : i32
      %dma_start3A_33 = arith.constant 0 : i32
      %dma_start3A_34 = tpu.memref_slice %arg8[%dma_start3A_32, %dma_start3A_33] : memref<10000x16xf32, #tpu.memory_space<vmem_shared>> -> memref<10000x16xf32, #tpu.memory_space<vmem_shared>>
      tpu.enqueue_indirect_dma source(%arg7 : memref<125x16xf32, #tpu.memory_space<vmem>>) target(%dma_start3A_34 : memref<10000x16xf32, #tpu.memory_space<vmem_shared>>) offsets(%dma_start3A_31 : memref<125xi32, #tpu.memory_space<vmem>>) semaphore(%arg9 : memref<!tpu.dma_semaphore, #tpu.memory_space<semaphore_mem>>) {add = true}
      %add3A_35 = arith.constant 3 : i32
      %add3A_36 = arith.addi %mul3A_11, %add3A_35 : i32
      %dma_start3A_37 = arith.constant 0 : i32
      %dma_start3A_38 = tpu.memref_slice %arg6[%add3A_36, %dma_start3A_37] : memref<80x125xi32, #tpu.memory_space<vmem>> -> memref<1x125xi32, #tpu.memory_space<vmem>>
      %dma_start3A_39 = tpu.memref_squeeze %dma_start3A_38 : memref<1x125xi32, #tpu.memory_space<vmem>> -> memref<125xi32, #tpu.memory_space<vmem>>
      %dma_start3A_40 = arith.constant 0 : i32
      %dma_start3A_41 = arith.constant 0 : i32
      %dma_start3A_42 = tpu.memref_slice %arg8[%dma_start3A_40, %dma_start3A_41] : memref<10000x16xf32, #tpu.memory_space<vmem_shared>> -> memref<10000x16xf32, #tpu.memory_space<vmem_shared>>
      tpu.enqueue_indirect_dma source(%arg7 : memref<125x16xf32, #tpu.memory_space<vmem>>) target(%dma_start3A_42 : memref<10000x16xf32, #tpu.memory_space<vmem_shared>>) offsets(%dma_start3A_39 : memref<125xi32, #tpu.memory_space<vmem>>) semaphore(%arg9 : memref<!tpu.dma_semaphore, #tpu.memory_space<semaphore_mem>>) {add = true}
      %add3A_43 = arith.constant 4 : i32
      %add3A_44 = arith.addi %mul3A_11, %add3A_43 : i32
      %dma_start3A_45 = arith.constant 0 : i32
      %dma_start3A_46 = tpu.memref_slice %arg6[%add3A_44, %dma_start3A_45] : memref<80x125xi32, #tpu.memory_space<vmem>> -> memref<1x125xi32, #tpu.memory_space<vmem>>
      %dma_start3A_47 = tpu.memref_squeeze %dma_start3A_46 : memref<1x125xi32, #tpu.memory_space<vmem>> -> memref<125xi32, #tpu.memory_space<vmem>>
      %dma_start3A_48 = arith.constant 0 : i32
      %dma_start3A_49 = arith.constant 0 : i32
      %dma_start3A_50 = tpu.memref_slice %arg8[%dma_start3A_48, %dma_start3A_49] : memref<10000x16xf32, #tpu.memory_space<vmem_shared>> -> memref<10000x16xf32, #tpu.memory_space<vmem_shared>>
      tpu.enqueue_indirect_dma source(%arg7 : memref<125x16xf32, #tpu.memory_space<vmem>>) target(%dma_start3A_50 : memref<10000x16xf32, #tpu.memory_space<vmem_shared>>) offsets(%dma_start3A_47 : memref<125xi32, #tpu.memory_space<vmem>>) semaphore(%arg9 : memref<!tpu.dma_semaphore, #tpu.memory_space<semaphore_mem>>) {add = true}
      %add3A_51 = arith.constant 5 : i32
      %add3A_52 = arith.addi %mul3A_11, %add3A_51 : i32
      %dma_start3A_53 = arith.constant 0 : i32
      %dma_start3A_54 = tpu.memref_slice %arg6[%add3A_52, %dma_start3A_53] : memref<80x125xi32, #tpu.memory_space<vmem>> -> memref<1x125xi32, #tpu.memory_space<vmem>>
      %dma_start3A_55 = tpu.memref_squeeze %dma_start3A_54 : memref<1x125xi32, #tpu.memory_space<vmem>> -> memref<125xi32, #tpu.memory_space<vmem>>
      %dma_start3A_56 = arith.constant 0 : i32
      %dma_start3A_57 = arith.constant 0 : i32
      %dma_start3A_58 = tpu.memref_slice %arg8[%dma_start3A_56, %dma_start3A_57] : memref<10000x16xf32, #tpu.memory_space<vmem_shared>> -> memref<10000x16xf32, #tpu.memory_space<vmem_shared>>
      tpu.enqueue_indirect_dma source(%arg7 : memref<125x16xf32, #tpu.memory_space<vmem>>) target(%dma_start3A_58 : memref<10000x16xf32, #tpu.memory_space<vmem_shared>>) offsets(%dma_start3A_55 : memref<125xi32, #tpu.memory_space<vmem>>) semaphore(%arg9 : memref<!tpu.dma_semaphore, #tpu.memory_space<semaphore_mem>>) {add = true}
      %add3A_59 = arith.constant 6 : i32
      %add3A_60 = arith.addi %mul3A_11, %add3A_59 : i32
      %dma_start3A_61 = arith.constant 0 : i32
      %dma_start3A_62 = tpu.memref_slice %arg6[%add3A_60, %dma_start3A_61] : memref<80x125xi32, #tpu.memory_space<vmem>> -> memref<1x125xi32, #tpu.memory_space<vmem>>
      %dma_start3A_63 = tpu.memref_squeeze %dma_start3A_62 : memref<1x125xi32, #tpu.memory_space<vmem>> -> memref<125xi32, #tpu.memory_space<vmem>>
      %dma_start3A_64 = arith.constant 0 : i32
      %dma_start3A_65 = arith.constant 0 : i32
      %dma_start3A_66 = tpu.memref_slice %arg8[%dma_start3A_64, %dma_start3A_65] : memref<10000x16xf32, #tpu.memory_space<vmem_shared>> -> memref<10000x16xf32, #tpu.memory_space<vmem_shared>>
      tpu.enqueue_indirect_dma source(%arg7 : memref<125x16xf32, #tpu.memory_space<vmem>>) target(%dma_start3A_66 : memref<10000x16xf32, #tpu.memory_space<vmem_shared>>) offsets(%dma_start3A_63 : memref<125xi32, #tpu.memory_space<vmem>>) semaphore(%arg9 : memref<!tpu.dma_semaphore, #tpu.memory_space<semaphore_mem>>) {add = true}
      %add3A_67 = arith.constant 7 : i32
      %add3A_68 = arith.addi %mul3A_11, %add3A_67 : i32
      %dma_start3A_69 = arith.constant 0 : i32
      %dma_start3A_70 = tpu.memref_slice %arg6[%add3A_68, %dma_start3A_69] : memref<80x125xi32, #tpu.memory_space<vmem>> -> memref<1x125xi32, #tpu.memory_space<vmem>>
      %dma_start3A_71 = tpu.memref_squeeze %dma_start3A_70 : memref<1x125xi32, #tpu.memory_space<vmem>> -> memref<125xi32, #tpu.memory_space<vmem>>
      %dma_start3A_72 = arith.constant 0 : i32
      %dma_start3A_73 = arith.constant 0 : i32
      %dma_start3A_74 = tpu.memref_slice %arg8[%dma_start3A_72, %dma_start3A_73] : memref<10000x16xf32, #tpu.memory_space<vmem_shared>> -> memref<10000x16xf32, #tpu.memory_space<vmem_shared>>
      tpu.enqueue_indirect_dma source(%arg7 : memref<125x16xf32, #tpu.memory_space<vmem>>) target(%dma_start3A_74 : memref<10000x16xf32, #tpu.memory_space<vmem_shared>>) offsets(%dma_start3A_71 : memref<125xi32, #tpu.memory_space<vmem>>) semaphore(%arg9 : memref<!tpu.dma_semaphore, #tpu.memory_space<semaphore_mem>>) {add = true}
      %add3A_75 = arith.constant 0 : i32
      %add3A_76 = arith.addi %mul3A_11, %add3A_75 : i32
      %dma_wait3A = arith.constant 0 : i32
      %dma_wait3A_77 = tpu.memref_slice %arg6[%add3A_76, %dma_wait3A] : memref<80x125xi32, #tpu.memory_space<vmem>> -> memref<1x125xi32, #tpu.memory_space<vmem>>
      %dma_wait3A_78 = tpu.memref_squeeze %dma_wait3A_77 : memref<1x125xi32, #tpu.memory_space<vmem>> -> memref<125xi32, #tpu.memory_space<vmem>>
      %dma_wait3A_79 = arith.constant 0 : i32
      %dma_wait3A_80 = arith.constant 0 : i32
      %dma_wait3A_81 = tpu.memref_slice %arg8[%dma_wait3A_79, %dma_wait3A_80] : memref<10000x16xf32, #tpu.memory_space<vmem_shared>> -> memref<10000x16xf32, #tpu.memory_space<vmem_shared>>
      tpu.wait_indirect_dma semaphore(%arg9 : memref<!tpu.dma_semaphore, #tpu.memory_space<semaphore_mem>>) src(%arg7 : memref<125x16xf32, #tpu.memory_space<vmem>>) dst(%dma_wait3A_81 : memref<10000x16xf32, #tpu.memory_space<vmem_shared>>)
      %add3A_82 = arith.constant 1 : i32
      %add3A_83 = arith.addi %mul3A_11, %add3A_82 : i32
      %dma_wait3A_84 = arith.constant 0 : i32
      %dma_wait3A_85 = tpu.memref_slice %arg6[%add3A_83, %dma_wait3A_84] : memref<80x125xi32, #tpu.memory_space<vmem>> -> memref<1x125xi32, #tpu.memory_space<vmem>>
      %dma_wait3A_86 = tpu.memref_squeeze %dma_wait3A_85 : memref<1x125xi32, #tpu.memory_space<vmem>> -> memref<125xi32, #tpu.memory_space<vmem>>
      %dma_wait3A_87 = arith.constant 0 : i32
      %dma_wait3A_88 = arith.constant 0 : i32
      %dma_wait3A_89 = tpu.memref_slice %arg8[%dma_wait3A_87, %dma_wait3A_88] : memref<10000x16xf32, #tpu.memory_space<vmem_shared>> -> memref<10000x16xf32, #tpu.memory_space<vmem_shared>>
      tpu.wait_indirect_dma semaphore(%arg9 : memref<!tpu.dma_semaphore, #tpu.memory_space<semaphore_mem>>) src(%arg7 : memref<125x16xf32, #tpu.memory_space<vmem>>) dst(%dma_wait3A_89 : memref<10000x16xf32, #tpu.memory_space<vmem_shared>>)
      %add3A_90 = arith.constant 2 : i32
      %add3A_91 = arith.addi %mul3A_11, %add3A_90 : i32
      %dma_wait3A_92 = arith.constant 0 : i32
      %dma_wait3A_93 = tpu.memref_slice %arg6[%add3A_91, %dma_wait3A_92] : memref<80x125xi32, #tpu.memory_space<vmem>> -> memref<1x125xi32, #tpu.memory_space<vmem>>
      %dma_wait3A_94 = tpu.memref_squeeze %dma_wait3A_93 : memref<1x125xi32, #tpu.memory_space<vmem>> -> memref<125xi32, #tpu.memory_space<vmem>>
      %dma_wait3A_95 = arith.constant 0 : i32
      %dma_wait3A_96 = arith.constant 0 : i32
      %dma_wait3A_97 = tpu.memref_slice %arg8[%dma_wait3A_95, %dma_wait3A_96] : memref<10000x16xf32, #tpu.memory_space<vmem_shared>> -> memref<10000x16xf32, #tpu.memory_space<vmem_shared>>
      tpu.wait_indirect_dma semaphore(%arg9 : memref<!tpu.dma_semaphore, #tpu.memory_space<semaphore_mem>>) src(%arg7 : memref<125x16xf32, #tpu.memory_space<vmem>>) dst(%dma_wait3A_97 : memref<10000x16xf32, #tpu.memory_space<vmem_shared>>)
      %add3A_98 = arith.constant 3 : i32
      %add3A_99 = arith.addi %mul3A_11, %add3A_98 : i32
      %dma_wait3A_100 = arith.constant 0 : i32
      %dma_wait3A_101 = tpu.memref_slice %arg6[%add3A_99, %dma_wait3A_100] : memref<80x125xi32, #tpu.memory_space<vmem>> -> memref<1x125xi32, #tpu.memory_space<vmem>>
      %dma_wait3A_102 = tpu.memref_squeeze %dma_wait3A_101 : memref<1x125xi32, #tpu.memory_space<vmem>> -> memref<125xi32, #tpu.memory_space<vmem>>
      %dma_wait3A_103 = arith.constant 0 : i32
      %dma_wait3A_104 = arith.constant 0 : i32
      %dma_wait3A_105 = tpu.memref_slice %arg8[%dma_wait3A_103, %dma_wait3A_104] : memref<10000x16xf32, #tpu.memory_space<vmem_shared>> -> memref<10000x16xf32, #tpu.memory_space<vmem_shared>>
      tpu.wait_indirect_dma semaphore(%arg9 : memref<!tpu.dma_semaphore, #tpu.memory_space<semaphore_mem>>) src(%arg7 : memref<125x16xf32, #tpu.memory_space<vmem>>) dst(%dma_wait3A_105 : memref<10000x16xf32, #tpu.memory_space<vmem_shared>>)
      %add3A_106 = arith.constant 4 : i32
      %add3A_107 = arith.addi %mul3A_11, %add3A_106 : i32
      %dma_wait3A_108 = arith.constant 0 : i32
      %dma_wait3A_109 = tpu.memref_slice %arg6[%add3A_107, %dma_wait3A_108] : memref<80x125xi32, #tpu.memory_space<vmem>> -> memref<1x125xi32, #tpu.memory_space<vmem>>
      %dma_wait3A_110 = tpu.memref_squeeze %dma_wait3A_109 : memref<1x125xi32, #tpu.memory_space<vmem>> -> memref<125xi32, #tpu.memory_space<vmem>>
      %dma_wait3A_111 = arith.constant 0 : i32
      %dma_wait3A_112 = arith.constant 0 : i32
      %dma_wait3A_113 = tpu.memref_slice %arg8[%dma_wait3A_111, %dma_wait3A_112] : memref<10000x16xf32, #tpu.memory_space<vmem_shared>> -> memref<10000x16xf32, #tpu.memory_space<vmem_shared>>
      tpu.wait_indirect_dma semaphore(%arg9 : memref<!tpu.dma_semaphore, #tpu.memory_space<semaphore_mem>>) src(%arg7 : memref<125x16xf32, #tpu.memory_space<vmem>>) dst(%dma_wait3A_113 : memref<10000x16xf32, #tpu.memory_space<vmem_shared>>)
      %add3A_114 = arith.constant 5 : i32
      %add3A_115 = arith.addi %mul3A_11, %add3A_114 : i32
      %dma_wait3A_116 = arith.constant 0 : i32
      %dma_wait3A_117 = tpu.memref_slice %arg6[%add3A_115, %dma_wait3A_116] : memref<80x125xi32, #tpu.memory_space<vmem>> -> memref<1x125xi32, #tpu.memory_space<vmem>>
      %dma_wait3A_118 = tpu.memref_squeeze %dma_wait3A_117 : memref<1x125xi32, #tpu.memory_space<vmem>> -> memref<125xi32, #tpu.memory_space<vmem>>
      %dma_wait3A_119 = arith.constant 0 : i32
      %dma_wait3A_120 = arith.constant 0 : i32
      %dma_wait3A_121 = tpu.memref_slice %arg8[%dma_wait3A_119, %dma_wait3A_120] : memref<10000x16xf32, #tpu.memory_space<vmem_shared>> -> memref<10000x16xf32, #tpu.memory_space<vmem_shared>>
      tpu.wait_indirect_dma semaphore(%arg9 : memref<!tpu.dma_semaphore, #tpu.memory_space<semaphore_mem>>) src(%arg7 : memref<125x16xf32, #tpu.memory_space<vmem>>) dst(%dma_wait3A_121 : memref<10000x16xf32, #tpu.memory_space<vmem_shared>>)
      %add3A_122 = arith.constant 6 : i32
      %add3A_123 = arith.addi %mul3A_11, %add3A_122 : i32
      %dma_wait3A_124 = arith.constant 0 : i32
      %dma_wait3A_125 = tpu.memref_slice %arg6[%add3A_123, %dma_wait3A_124] : memref<80x125xi32, #tpu.memory_space<vmem>> -> memref<1x125xi32, #tpu.memory_space<vmem>>
      %dma_wait3A_126 = tpu.memref_squeeze %dma_wait3A_125 : memref<1x125xi32, #tpu.memory_space<vmem>> -> memref<125xi32, #tpu.memory_space<vmem>>
      %dma_wait3A_127 = arith.constant 0 : i32
      %dma_wait3A_128 = arith.constant 0 : i32
      %dma_wait3A_129 = tpu.memref_slice %arg8[%dma_wait3A_127, %dma_wait3A_128] : memref<10000x16xf32, #tpu.memory_space<vmem_shared>> -> memref<10000x16xf32, #tpu.memory_space<vmem_shared>>
      tpu.wait_indirect_dma semaphore(%arg9 : memref<!tpu.dma_semaphore, #tpu.memory_space<semaphore_mem>>) src(%arg7 : memref<125x16xf32, #tpu.memory_space<vmem>>) dst(%dma_wait3A_129 : memref<10000x16xf32, #tpu.memory_space<vmem_shared>>)
      %add3A_130 = arith.constant 7 : i32
      %add3A_131 = arith.addi %mul3A_11, %add3A_130 : i32
      %dma_wait3A_132 = arith.constant 0 : i32
      %dma_wait3A_133 = tpu.memref_slice %arg6[%add3A_131, %dma_wait3A_132] : memref<80x125xi32, #tpu.memory_space<vmem>> -> memref<1x125xi32, #tpu.memory_space<vmem>>
      %dma_wait3A_134 = tpu.memref_squeeze %dma_wait3A_133 : memref<1x125xi32, #tpu.memory_space<vmem>> -> memref<125xi32, #tpu.memory_space<vmem>>
      %dma_wait3A_135 = arith.constant 0 : i32
      %dma_wait3A_136 = arith.constant 0 : i32
      %dma_wait3A_137 = tpu.memref_slice %arg8[%dma_wait3A_135, %dma_wait3A_136] : memref<10000x16xf32, #tpu.memory_space<vmem_shared>> -> memref<10000x16xf32, #tpu.memory_space<vmem_shared>>
      tpu.wait_indirect_dma semaphore(%arg9 : memref<!tpu.dma_semaphore, #tpu.memory_space<semaphore_mem>>) src(%arg7 : memref<125x16xf32, #tpu.memory_space<vmem>>) dst(%dma_wait3A_137 : memref<10000x16xf32, #tpu.memory_space<vmem_shared>>)
    }
    %scan3A_7 = arith.constant 10 : i32
    %barrier3A_8 = arith.constant 0 : index
    tpu.barrier barrier_id(%barrier3A_8)
    "tpu.region"() ({
      %run_scoped3A_9 = tpu.sem_alloc : memref<!tpu.dma_semaphore, #tpu.memory_space<semaphore_mem>>
      %dma_start3A = arith.constant 0 : i32
      %dma_start3A_10 = tpu.memref_slice %arg5[%arg0, %mul3A_2, %dma_start3A] : memref<2x10000x16xf32, #tpu.memory_space<hbm>> -> memref<1x640x16xf32, #tpu.memory_space<hbm>>
      %dma_start3A_11 = tpu.memref_squeeze %dma_start3A_10 : memref<1x640x16xf32, #tpu.memory_space<hbm>> -> memref<640x16xf32, #tpu.memory_space<hbm>>
      %dma_start3A_12 = arith.constant 0 : i32
      %dma_start3A_13 = tpu.memref_slice %arg8[%mul3A_2, %dma_start3A_12] : memref<10000x16xf32, #tpu.memory_space<vmem_shared>> -> memref<640x16xf32, #tpu.memory_space<vmem_shared>>
      tpu.enqueue_dma source(%dma_start3A_13 : memref<640x16xf32, #tpu.memory_space<vmem_shared>>) target(%dma_start3A_11 : memref<640x16xf32, #tpu.memory_space<hbm>>) target_semaphore(%run_scoped3A_9 : memref<!tpu.dma_semaphore, #tpu.memory_space<semaphore_mem>>)
      %dma_wait3A = arith.constant 0 : i32
      %dma_wait3A_14 = tpu.memref_slice %arg5[%arg0, %mul3A_2, %dma_wait3A] : memref<2x10000x16xf32, #tpu.memory_space<hbm>> -> memref<1x640x16xf32, #tpu.memory_space<hbm>>
      %dma_wait3A_15 = tpu.memref_squeeze %dma_wait3A_14 : memref<1x640x16xf32, #tpu.memory_space<hbm>> -> memref<640x16xf32, #tpu.memory_space<hbm>>
      %dma_wait3A_16 = arith.constant 0 : i32
      %dma_wait3A_17 = tpu.memref_slice %arg8[%mul3A_2, %dma_wait3A_16] : memref<10000x16xf32, #tpu.memory_space<vmem_shared>> -> memref<640x16xf32, #tpu.memory_space<vmem_shared>>
      tpu.wait_dma2 semaphore(%run_scoped3A_9 : memref<!tpu.dma_semaphore, #tpu.memory_space<semaphore_mem>>) src(%dma_wait3A_17 : memref<640x16xf32, #tpu.memory_space<vmem_shared>>) dst(%dma_wait3A_15 : memref<640x16xf32, #tpu.memory_space<hbm>>)
      tpu.yield
    }) : () -> ()
    return
  }
}

#map = affine_map<(d0, d1) -> (0, 0, 0, 0)>
#map1 = affine_map<(d0, d1) -> (0, 0)>
#map2 = affine_map<(d0, d1) -> (0, 0, 0)>
module attributes {stable_mosaic.version = 14 : i64} {
  func.func @prop(%arg0: i32, %arg1: i32, %arg2: memref<2x32x80x125xi32, #tpu.memory_space<hbm>>, %arg3: memref<10000x64xf32, #tpu.memory_space<hbm>>, %arg4: memref<10000x64xf32, #tpu.memory_space<hbm>>, %arg5: memref<2x10000x64xf32, #tpu.memory_space<hbm>>, %arg6: memref<80x125xi32, #tpu.memory_space<vmem>>, %arg7: memref<80x125xi32, #tpu.memory_space<vmem>>, %arg8: memref<8x125x64xf32, #tpu.memory_space<vmem>>, %arg9: memref<10000x64xf32, #tpu.memory_space<vmem_shared>>, %arg10: memref<8x!tpu.dma_semaphore, #tpu.memory_space<semaphore_mem>>, %arg11: memref<8x!tpu.dma_semaphore, #tpu.memory_space<semaphore_mem>>) attributes {dimension_semantics = [#tpu.dimension_semantics<core_parallel>, #tpu.dimension_semantics<subcore_parallel>], iteration_bounds = array<i64: 2, 16>, scalar_prefetch = 0 : i64, scratch_operands = 6 : i64, tpu.core_type = #tpu.core_type<sc_vector_subcore>, window_params = [{transform_indices = #map}, {transform_indices = #map1}, {transform_indices = #map1}, {transform_indices = #map2}]} {
    %mul3A = arith.constant 16 : i32
    %mul3A_0 = arith.muli %arg0, %mul3A : i32
    %add3A = arith.addi %mul3A_0, %arg1 : i32
    %run_scoped3A = arith.constant 0 : i32
    "tpu.region"() ({
      %run_scoped3A_128 = tpu.sem_alloc : memref<!tpu.dma_semaphore, #tpu.memory_space<semaphore_mem>>
      %dma_start3A_129 = arith.constant 0 : i32
      %dma_start3A_130 = arith.constant 0 : i32
      %dma_start3A_131 = tpu.memref_slice %arg2[%run_scoped3A, %add3A, %dma_start3A_129, %dma_start3A_130] : memref<2x32x80x125xi32, #tpu.memory_space<hbm>> -> memref<1x1x80x125xi32, #tpu.memory_space<hbm>>
      %dma_start3A_132 = tpu.memref_squeeze %dma_start3A_131 : memref<1x1x80x125xi32, #tpu.memory_space<hbm>> -> memref<80x125xi32, #tpu.memory_space<hbm>>
      %dma_start3A_133 = arith.constant 0 : i32
      %dma_start3A_134 = arith.constant 0 : i32
      %dma_start3A_135 = tpu.memref_slice %arg2[%run_scoped3A, %add3A, %dma_start3A_133, %dma_start3A_134] : memref<2x32x80x125xi32, #tpu.memory_space<hbm>> -> memref<1x1x80x125xi32, #tpu.memory_space<hbm>>
      %dma_start3A_136 = tpu.memref_squeeze %dma_start3A_135 : memref<1x1x80x125xi32, #tpu.memory_space<hbm>> -> memref<80x125xi32, #tpu.memory_space<hbm>>
      tpu.enqueue_dma source(%dma_start3A_136 : memref<80x125xi32, #tpu.memory_space<hbm>>) target(%arg6 : memref<80x125xi32, #tpu.memory_space<vmem>>) target_semaphore(%run_scoped3A_128 : memref<!tpu.dma_semaphore, #tpu.memory_space<semaphore_mem>>)
      %dma_wait3A_137 = arith.constant 0 : i32
      %dma_wait3A_138 = arith.constant 0 : i32
      %dma_wait3A_139 = tpu.memref_slice %arg2[%run_scoped3A, %add3A, %dma_wait3A_137, %dma_wait3A_138] : memref<2x32x80x125xi32, #tpu.memory_space<hbm>> -> memref<1x1x80x125xi32, #tpu.memory_space<hbm>>
      %dma_wait3A_140 = tpu.memref_squeeze %dma_wait3A_139 : memref<1x1x80x125xi32, #tpu.memory_space<hbm>> -> memref<80x125xi32, #tpu.memory_space<hbm>>
      %dma_wait3A_141 = arith.constant 0 : i32
      %dma_wait3A_142 = arith.constant 0 : i32
      %dma_wait3A_143 = tpu.memref_slice %arg2[%run_scoped3A, %add3A, %dma_wait3A_141, %dma_wait3A_142] : memref<2x32x80x125xi32, #tpu.memory_space<hbm>> -> memref<1x1x80x125xi32, #tpu.memory_space<hbm>>
      %dma_wait3A_144 = tpu.memref_squeeze %dma_wait3A_143 : memref<1x1x80x125xi32, #tpu.memory_space<hbm>> -> memref<80x125xi32, #tpu.memory_space<hbm>>
      tpu.wait_dma2 semaphore(%run_scoped3A_128 : memref<!tpu.dma_semaphore, #tpu.memory_space<semaphore_mem>>) src(%dma_wait3A_144 : memref<80x125xi32, #tpu.memory_space<hbm>>) dst(%arg6 : memref<80x125xi32, #tpu.memory_space<vmem>>)
      tpu.yield
    }) : () -> ()
    %run_scoped3A_1 = arith.constant 1 : i32
    "tpu.region"() ({
      %run_scoped3A_128 = tpu.sem_alloc : memref<!tpu.dma_semaphore, #tpu.memory_space<semaphore_mem>>
      %dma_start3A_129 = arith.constant 0 : i32
      %dma_start3A_130 = arith.constant 0 : i32
      %dma_start3A_131 = tpu.memref_slice %arg2[%run_scoped3A_1, %add3A, %dma_start3A_129, %dma_start3A_130] : memref<2x32x80x125xi32, #tpu.memory_space<hbm>> -> memref<1x1x80x125xi32, #tpu.memory_space<hbm>>
      %dma_start3A_132 = tpu.memref_squeeze %dma_start3A_131 : memref<1x1x80x125xi32, #tpu.memory_space<hbm>> -> memref<80x125xi32, #tpu.memory_space<hbm>>
      %dma_start3A_133 = arith.constant 0 : i32
      %dma_start3A_134 = arith.constant 0 : i32
      %dma_start3A_135 = tpu.memref_slice %arg2[%run_scoped3A_1, %add3A, %dma_start3A_133, %dma_start3A_134] : memref<2x32x80x125xi32, #tpu.memory_space<hbm>> -> memref<1x1x80x125xi32, #tpu.memory_space<hbm>>
      %dma_start3A_136 = tpu.memref_squeeze %dma_start3A_135 : memref<1x1x80x125xi32, #tpu.memory_space<hbm>> -> memref<80x125xi32, #tpu.memory_space<hbm>>
      tpu.enqueue_dma source(%dma_start3A_136 : memref<80x125xi32, #tpu.memory_space<hbm>>) target(%arg7 : memref<80x125xi32, #tpu.memory_space<vmem>>) target_semaphore(%run_scoped3A_128 : memref<!tpu.dma_semaphore, #tpu.memory_space<semaphore_mem>>)
      %dma_wait3A_137 = arith.constant 0 : i32
      %dma_wait3A_138 = arith.constant 0 : i32
      %dma_wait3A_139 = tpu.memref_slice %arg2[%run_scoped3A_1, %add3A, %dma_wait3A_137, %dma_wait3A_138] : memref<2x32x80x125xi32, #tpu.memory_space<hbm>> -> memref<1x1x80x125xi32, #tpu.memory_space<hbm>>
      %dma_wait3A_140 = tpu.memref_squeeze %dma_wait3A_139 : memref<1x1x80x125xi32, #tpu.memory_space<hbm>> -> memref<80x125xi32, #tpu.memory_space<hbm>>
      %dma_wait3A_141 = arith.constant 0 : i32
      %dma_wait3A_142 = arith.constant 0 : i32
      %dma_wait3A_143 = tpu.memref_slice %arg2[%run_scoped3A_1, %add3A, %dma_wait3A_141, %dma_wait3A_142] : memref<2x32x80x125xi32, #tpu.memory_space<hbm>> -> memref<1x1x80x125xi32, #tpu.memory_space<hbm>>
      %dma_wait3A_144 = tpu.memref_squeeze %dma_wait3A_143 : memref<1x1x80x125xi32, #tpu.memory_space<hbm>> -> memref<80x125xi32, #tpu.memory_space<hbm>>
      tpu.wait_dma2 semaphore(%run_scoped3A_128 : memref<!tpu.dma_semaphore, #tpu.memory_space<semaphore_mem>>) src(%dma_wait3A_144 : memref<80x125xi32, #tpu.memory_space<hbm>>) dst(%arg7 : memref<80x125xi32, #tpu.memory_space<vmem>>)
      tpu.yield
    }) : () -> ()
    %mul3A_2 = arith.constant 624 : i32
    %mul3A_3 = arith.muli %arg1, %mul3A_2 : i32
    "tpu.region"() ({
      %run_scoped3A_128 = tpu.sem_alloc : memref<!tpu.dma_semaphore, #tpu.memory_space<semaphore_mem>>
      %dma_start3A_129 = arith.constant 0 : i32
      %dma_start3A_130 = tpu.memref_slice %arg9[%mul3A_3, %dma_start3A_129] : memref<10000x64xf32, #tpu.memory_space<vmem_shared>> -> memref<640x64xf32, #tpu.memory_space<vmem_shared>>
      %dma_start3A_131 = arith.constant 0 : i32
      %dma_start3A_132 = tpu.memref_slice %arg4[%mul3A_3, %dma_start3A_131] : memref<10000x64xf32, #tpu.memory_space<hbm>> -> memref<640x64xf32, #tpu.memory_space<hbm>>
      tpu.enqueue_dma source(%dma_start3A_132 : memref<640x64xf32, #tpu.memory_space<hbm>>) target(%dma_start3A_130 : memref<640x64xf32, #tpu.memory_space<vmem_shared>>) target_semaphore(%run_scoped3A_128 : memref<!tpu.dma_semaphore, #tpu.memory_space<semaphore_mem>>)
      %dma_wait3A_133 = arith.constant 0 : i32
      %dma_wait3A_134 = tpu.memref_slice %arg9[%mul3A_3, %dma_wait3A_133] : memref<10000x64xf32, #tpu.memory_space<vmem_shared>> -> memref<640x64xf32, #tpu.memory_space<vmem_shared>>
      %dma_wait3A_135 = arith.constant 0 : i32
      %dma_wait3A_136 = tpu.memref_slice %arg4[%mul3A_3, %dma_wait3A_135] : memref<10000x64xf32, #tpu.memory_space<hbm>> -> memref<640x64xf32, #tpu.memory_space<hbm>>
      tpu.wait_dma2 semaphore(%run_scoped3A_128 : memref<!tpu.dma_semaphore, #tpu.memory_space<semaphore_mem>>) src(%dma_wait3A_136 : memref<640x64xf32, #tpu.memory_space<hbm>>) dst(%dma_wait3A_134 : memref<640x64xf32, #tpu.memory_space<vmem_shared>>)
      tpu.yield
    }) : () -> ()
    %barrier3A = arith.constant 0 : index
    tpu.barrier barrier_id(%barrier3A)
    %dma_start3A = arith.constant 0 : i32
    %dma_start3A_4 = arith.constant 0 : i32
    %dma_start3A_5 = arith.constant 0 : i32
    %dma_start3A_6 = arith.constant 0 : i32
    %dma_start3A_7 = arith.constant 0 : i32
    %dma_start3A_8 = tpu.memref_slice %arg8[%dma_start3A_4, %dma_start3A_6, %dma_start3A_7] : memref<8x125x64xf32, #tpu.memory_space<vmem>> -> memref<1x125x64xf32, #tpu.memory_space<vmem>>
    %dma_start3A_9 = tpu.memref_squeeze %dma_start3A_8 : memref<1x125x64xf32, #tpu.memory_space<vmem>> -> memref<125x64xf32, #tpu.memory_space<vmem>>
    %dma_start3A_10 = arith.constant 0 : i32
    %dma_start3A_11 = tpu.memref_slice %arg6[%dma_start3A, %dma_start3A_10] : memref<80x125xi32, #tpu.memory_space<vmem>> -> memref<1x125xi32, #tpu.memory_space<vmem>>
    %dma_start3A_12 = tpu.memref_squeeze %dma_start3A_11 : memref<1x125xi32, #tpu.memory_space<vmem>> -> memref<125xi32, #tpu.memory_space<vmem>>
    %dma_start3A_13 = arith.constant 0 : i32
    %dma_start3A_14 = arith.constant 0 : i32
    %dma_start3A_15 = tpu.memref_slice %arg3[%dma_start3A_13, %dma_start3A_14] : memref<10000x64xf32, #tpu.memory_space<hbm>> -> memref<10000x64xf32, #tpu.memory_space<hbm>>
    %dma_start3A_16 = tpu.memref_slice %arg10[%dma_start3A_5] : memref<8x!tpu.dma_semaphore, #tpu.memory_space<semaphore_mem>> -> memref<1x!tpu.dma_semaphore, #tpu.memory_space<semaphore_mem>>
    %dma_start3A_17 = tpu.memref_squeeze %dma_start3A_16 : memref<1x!tpu.dma_semaphore, #tpu.memory_space<semaphore_mem>> -> memref<!tpu.dma_semaphore, #tpu.memory_space<semaphore_mem>>
    tpu.enqueue_indirect_dma source(%dma_start3A_15 : memref<10000x64xf32, #tpu.memory_space<hbm>>) target(%dma_start3A_9 : memref<125x64xf32, #tpu.memory_space<vmem>>) offsets(%dma_start3A_12 : memref<125xi32, #tpu.memory_space<vmem>>) semaphore(%dma_start3A_17 : memref<!tpu.dma_semaphore, #tpu.memory_space<semaphore_mem>>)
    %dma_start3A_18 = arith.constant 1 : i32
    %dma_start3A_19 = arith.constant 1 : i32
    %dma_start3A_20 = arith.constant 1 : i32
    %dma_start3A_21 = arith.constant 0 : i32
    %dma_start3A_22 = arith.constant 0 : i32
    %dma_start3A_23 = tpu.memref_slice %arg8[%dma_start3A_19, %dma_start3A_21, %dma_start3A_22] : memref<8x125x64xf32, #tpu.memory_space<vmem>> -> memref<1x125x64xf32, #tpu.memory_space<vmem>>
    %dma_start3A_24 = tpu.memref_squeeze %dma_start3A_23 : memref<1x125x64xf32, #tpu.memory_space<vmem>> -> memref<125x64xf32, #tpu.memory_space<vmem>>
    %dma_start3A_25 = arith.constant 0 : i32
    %dma_start3A_26 = tpu.memref_slice %arg6[%dma_start3A_18, %dma_start3A_25] : memref<80x125xi32, #tpu.memory_space<vmem>> -> memref<1x125xi32, #tpu.memory_space<vmem>>
    %dma_start3A_27 = tpu.memref_squeeze %dma_start3A_26 : memref<1x125xi32, #tpu.memory_space<vmem>> -> memref<125xi32, #tpu.memory_space<vmem>>
    %dma_start3A_28 = arith.constant 0 : i32
    %dma_start3A_29 = arith.constant 0 : i32
    %dma_start3A_30 = tpu.memref_slice %arg3[%dma_start3A_28, %dma_start3A_29] : memref<10000x64xf32, #tpu.memory_space<hbm>> -> memref<10000x64xf32, #tpu.memory_space<hbm>>
    %dma_start3A_31 = tpu.memref_slice %arg10[%dma_start3A_20] : memref<8x!tpu.dma_semaphore, #tpu.memory_space<semaphore_mem>> -> memref<1x!tpu.dma_semaphore, #tpu.memory_space<semaphore_mem>>
    %dma_start3A_32 = tpu.memref_squeeze %dma_start3A_31 : memref<1x!tpu.dma_semaphore, #tpu.memory_space<semaphore_mem>> -> memref<!tpu.dma_semaphore, #tpu.memory_space<semaphore_mem>>
    tpu.enqueue_indirect_dma source(%dma_start3A_30 : memref<10000x64xf32, #tpu.memory_space<hbm>>) target(%dma_start3A_24 : memref<125x64xf32, #tpu.memory_space<vmem>>) offsets(%dma_start3A_27 : memref<125xi32, #tpu.memory_space<vmem>>) semaphore(%dma_start3A_32 : memref<!tpu.dma_semaphore, #tpu.memory_space<semaphore_mem>>)
    %dma_start3A_33 = arith.constant 2 : i32
    %dma_start3A_34 = arith.constant 2 : i32
    %dma_start3A_35 = arith.constant 2 : i32
    %dma_start3A_36 = arith.constant 0 : i32
    %dma_start3A_37 = arith.constant 0 : i32
    %dma_start3A_38 = tpu.memref_slice %arg8[%dma_start3A_34, %dma_start3A_36, %dma_start3A_37] : memref<8x125x64xf32, #tpu.memory_space<vmem>> -> memref<1x125x64xf32, #tpu.memory_space<vmem>>
    %dma_start3A_39 = tpu.memref_squeeze %dma_start3A_38 : memref<1x125x64xf32, #tpu.memory_space<vmem>> -> memref<125x64xf32, #tpu.memory_space<vmem>>
    %dma_start3A_40 = arith.constant 0 : i32
    %dma_start3A_41 = tpu.memref_slice %arg6[%dma_start3A_33, %dma_start3A_40] : memref<80x125xi32, #tpu.memory_space<vmem>> -> memref<1x125xi32, #tpu.memory_space<vmem>>
    %dma_start3A_42 = tpu.memref_squeeze %dma_start3A_41 : memref<1x125xi32, #tpu.memory_space<vmem>> -> memref<125xi32, #tpu.memory_space<vmem>>
    %dma_start3A_43 = arith.constant 0 : i32
    %dma_start3A_44 = arith.constant 0 : i32
    %dma_start3A_45 = tpu.memref_slice %arg3[%dma_start3A_43, %dma_start3A_44] : memref<10000x64xf32, #tpu.memory_space<hbm>> -> memref<10000x64xf32, #tpu.memory_space<hbm>>
    %dma_start3A_46 = tpu.memref_slice %arg10[%dma_start3A_35] : memref<8x!tpu.dma_semaphore, #tpu.memory_space<semaphore_mem>> -> memref<1x!tpu.dma_semaphore, #tpu.memory_space<semaphore_mem>>
    %dma_start3A_47 = tpu.memref_squeeze %dma_start3A_46 : memref<1x!tpu.dma_semaphore, #tpu.memory_space<semaphore_mem>> -> memref<!tpu.dma_semaphore, #tpu.memory_space<semaphore_mem>>
    tpu.enqueue_indirect_dma source(%dma_start3A_45 : memref<10000x64xf32, #tpu.memory_space<hbm>>) target(%dma_start3A_39 : memref<125x64xf32, #tpu.memory_space<vmem>>) offsets(%dma_start3A_42 : memref<125xi32, #tpu.memory_space<vmem>>) semaphore(%dma_start3A_47 : memref<!tpu.dma_semaphore, #tpu.memory_space<semaphore_mem>>)
    %dma_start3A_48 = arith.constant 3 : i32
    %dma_start3A_49 = arith.constant 3 : i32
    %dma_start3A_50 = arith.constant 3 : i32
    %dma_start3A_51 = arith.constant 0 : i32
    %dma_start3A_52 = arith.constant 0 : i32
    %dma_start3A_53 = tpu.memref_slice %arg8[%dma_start3A_49, %dma_start3A_51, %dma_start3A_52] : memref<8x125x64xf32, #tpu.memory_space<vmem>> -> memref<1x125x64xf32, #tpu.memory_space<vmem>>
    %dma_start3A_54 = tpu.memref_squeeze %dma_start3A_53 : memref<1x125x64xf32, #tpu.memory_space<vmem>> -> memref<125x64xf32, #tpu.memory_space<vmem>>
    %dma_start3A_55 = arith.constant 0 : i32
    %dma_start3A_56 = tpu.memref_slice %arg6[%dma_start3A_48, %dma_start3A_55] : memref<80x125xi32, #tpu.memory_space<vmem>> -> memref<1x125xi32, #tpu.memory_space<vmem>>
    %dma_start3A_57 = tpu.memref_squeeze %dma_start3A_56 : memref<1x125xi32, #tpu.memory_space<vmem>> -> memref<125xi32, #tpu.memory_space<vmem>>
    %dma_start3A_58 = arith.constant 0 : i32
    %dma_start3A_59 = arith.constant 0 : i32
    %dma_start3A_60 = tpu.memref_slice %arg3[%dma_start3A_58, %dma_start3A_59] : memref<10000x64xf32, #tpu.memory_space<hbm>> -> memref<10000x64xf32, #tpu.memory_space<hbm>>
    %dma_start3A_61 = tpu.memref_slice %arg10[%dma_start3A_50] : memref<8x!tpu.dma_semaphore, #tpu.memory_space<semaphore_mem>> -> memref<1x!tpu.dma_semaphore, #tpu.memory_space<semaphore_mem>>
    %dma_start3A_62 = tpu.memref_squeeze %dma_start3A_61 : memref<1x!tpu.dma_semaphore, #tpu.memory_space<semaphore_mem>> -> memref<!tpu.dma_semaphore, #tpu.memory_space<semaphore_mem>>
    tpu.enqueue_indirect_dma source(%dma_start3A_60 : memref<10000x64xf32, #tpu.memory_space<hbm>>) target(%dma_start3A_54 : memref<125x64xf32, #tpu.memory_space<vmem>>) offsets(%dma_start3A_57 : memref<125xi32, #tpu.memory_space<vmem>>) semaphore(%dma_start3A_62 : memref<!tpu.dma_semaphore, #tpu.memory_space<semaphore_mem>>)
    %scan3A = arith.constant 0 : i32
    %scan3A_63 = arith.constant 0 : i32
    %scan3A_64 = arith.constant 80 : i32
    %scan3A_65 = arith.addi %scan3A_63, %scan3A_64 : i32
    %scan3A_66 = arith.constant 1 : i32
    scf.for %scan3A_128 = %scan3A_63 to %scan3A_65 step %scan3A_66  : i32 {
      %rem3A = arith.constant 8 : i32
      %rem3A_129 = arith.remsi %scan3A_128, %rem3A : i32
      %dma_wait3A_130 = arith.constant 0 : i32
      %dma_wait3A_131 = arith.constant 0 : i32
      %dma_wait3A_132 = tpu.memref_slice %arg8[%rem3A_129, %dma_wait3A_130, %dma_wait3A_131] : memref<8x125x64xf32, #tpu.memory_space<vmem>> -> memref<1x125x64xf32, #tpu.memory_space<vmem>>
      %dma_wait3A_133 = tpu.memref_squeeze %dma_wait3A_132 : memref<1x125x64xf32, #tpu.memory_space<vmem>> -> memref<125x64xf32, #tpu.memory_space<vmem>>
      %dma_wait3A_134 = arith.constant 0 : i32
      %dma_wait3A_135 = tpu.memref_slice %arg6[%scan3A_128, %dma_wait3A_134] : memref<80x125xi32, #tpu.memory_space<vmem>> -> memref<1x125xi32, #tpu.memory_space<vmem>>
      %dma_wait3A_136 = tpu.memref_squeeze %dma_wait3A_135 : memref<1x125xi32, #tpu.memory_space<vmem>> -> memref<125xi32, #tpu.memory_space<vmem>>
      %dma_wait3A_137 = arith.constant 0 : i32
      %dma_wait3A_138 = arith.constant 0 : i32
      %dma_wait3A_139 = tpu.memref_slice %arg3[%dma_wait3A_137, %dma_wait3A_138] : memref<10000x64xf32, #tpu.memory_space<hbm>> -> memref<10000x64xf32, #tpu.memory_space<hbm>>
      %dma_wait3A_140 = tpu.memref_slice %arg10[%rem3A_129] : memref<8x!tpu.dma_semaphore, #tpu.memory_space<semaphore_mem>> -> memref<1x!tpu.dma_semaphore, #tpu.memory_space<semaphore_mem>>
      %dma_wait3A_141 = tpu.memref_squeeze %dma_wait3A_140 : memref<1x!tpu.dma_semaphore, #tpu.memory_space<semaphore_mem>> -> memref<!tpu.dma_semaphore, #tpu.memory_space<semaphore_mem>>
      tpu.wait_indirect_dma semaphore(%dma_wait3A_141 : memref<!tpu.dma_semaphore, #tpu.memory_space<semaphore_mem>>) src(%dma_wait3A_139 : memref<10000x64xf32, #tpu.memory_space<hbm>>) dst(%dma_wait3A_133 : memref<125x64xf32, #tpu.memory_space<vmem>>)
      %dma_start3A_142 = arith.constant 0 : i32
      %dma_start3A_143 = arith.constant 0 : i32
      %dma_start3A_144 = tpu.memref_slice %arg8[%rem3A_129, %dma_start3A_142, %dma_start3A_143] : memref<8x125x64xf32, #tpu.memory_space<vmem>> -> memref<1x125x64xf32, #tpu.memory_space<vmem>>
      %dma_start3A_145 = tpu.memref_squeeze %dma_start3A_144 : memref<1x125x64xf32, #tpu.memory_space<vmem>> -> memref<125x64xf32, #tpu.memory_space<vmem>>
      %dma_start3A_146 = arith.constant 0 : i32
      %dma_start3A_147 = tpu.memref_slice %arg7[%scan3A_128, %dma_start3A_146] : memref<80x125xi32, #tpu.memory_space<vmem>> -> memref<1x125xi32, #tpu.memory_space<vmem>>
      %dma_start3A_148 = tpu.memref_squeeze %dma_start3A_147 : memref<1x125xi32, #tpu.memory_space<vmem>> -> memref<125xi32, #tpu.memory_space<vmem>>
      %dma_start3A_149 = arith.constant 0 : i32
      %dma_start3A_150 = arith.constant 0 : i32
      %dma_start3A_151 = tpu.memref_slice %arg9[%dma_start3A_149, %dma_start3A_150] : memref<10000x64xf32, #tpu.memory_space<vmem_shared>> -> memref<10000x64xf32, #tpu.memory_space<vmem_shared>>
      %dma_start3A_152 = tpu.memref_slice %arg11[%rem3A_129] : memref<8x!tpu.dma_semaphore, #tpu.memory_space<semaphore_mem>> -> memref<1x!tpu.dma_semaphore, #tpu.memory_space<semaphore_mem>>
      %dma_start3A_153 = tpu.memref_squeeze %dma_start3A_152 : memref<1x!tpu.dma_semaphore, #tpu.memory_space<semaphore_mem>> -> memref<!tpu.dma_semaphore, #tpu.memory_space<semaphore_mem>>
      tpu.enqueue_indirect_dma source(%dma_start3A_145 : memref<125x64xf32, #tpu.memory_space<vmem>>) target(%dma_start3A_151 : memref<10000x64xf32, #tpu.memory_space<vmem_shared>>) offsets(%dma_start3A_148 : memref<125xi32, #tpu.memory_space<vmem>>) semaphore(%dma_start3A_153 : memref<!tpu.dma_semaphore, #tpu.memory_space<semaphore_mem>>) {add = true}
      %add3A_154 = arith.constant 4 : i32
      %add3A_155 = arith.addi %scan3A_128, %add3A_154 : i32
      %lt3A = arith.constant 80 : i32
      %lt3A_156 = arith.cmpi slt, %add3A_155, %lt3A : i32
      %convert_element_type3A = arith.extui %lt3A_156 : i1 to i32
      %cond3A = arith.constant 0 : i32
      %cond3A_157 = arith.cmpi ne, %convert_element_type3A, %cond3A : i32
      scf.if %cond3A_157 {
        %rem3A_158 = arith.constant 8 : i32
        %rem3A_159 = arith.remsi %add3A_155, %rem3A_158 : i32
        %ge3A = arith.constant 8 : i32
        %ge3A_160 = arith.cmpi sge, %add3A_155, %ge3A : i32
        %convert_element_type3A_161 = arith.extui %ge3A_160 : i1 to i32
        %cond3A_162 = arith.constant 0 : i32
        %cond3A_163 = arith.cmpi ne, %convert_element_type3A_161, %cond3A_162 : i32
        scf.if %cond3A_163 {
          %sub3A = arith.constant 8 : i32
          %sub3A_176 = arith.subi %add3A_155, %sub3A : i32
          %dma_wait3A_177 = arith.constant 0 : i32
          %dma_wait3A_178 = arith.constant 0 : i32
          %dma_wait3A_179 = tpu.memref_slice %arg8[%rem3A_159, %dma_wait3A_177, %dma_wait3A_178] : memref<8x125x64xf32, #tpu.memory_space<vmem>> -> memref<1x125x64xf32, #tpu.memory_space<vmem>>
          %dma_wait3A_180 = tpu.memref_squeeze %dma_wait3A_179 : memref<1x125x64xf32, #tpu.memory_space<vmem>> -> memref<125x64xf32, #tpu.memory_space<vmem>>
          %dma_wait3A_181 = arith.constant 0 : i32
          %dma_wait3A_182 = tpu.memref_slice %arg7[%sub3A_176, %dma_wait3A_181] : memref<80x125xi32, #tpu.memory_space<vmem>> -> memref<1x125xi32, #tpu.memory_space<vmem>>
          %dma_wait3A_183 = tpu.memref_squeeze %dma_wait3A_182 : memref<1x125xi32, #tpu.memory_space<vmem>> -> memref<125xi32, #tpu.memory_space<vmem>>
          %dma_wait3A_184 = arith.constant 0 : i32
          %dma_wait3A_185 = arith.constant 0 : i32
          %dma_wait3A_186 = tpu.memref_slice %arg9[%dma_wait3A_184, %dma_wait3A_185] : memref<10000x64xf32, #tpu.memory_space<vmem_shared>> -> memref<10000x64xf32, #tpu.memory_space<vmem_shared>>
          %dma_wait3A_187 = tpu.memref_slice %arg11[%rem3A_159] : memref<8x!tpu.dma_semaphore, #tpu.memory_space<semaphore_mem>> -> memref<1x!tpu.dma_semaphore, #tpu.memory_space<semaphore_mem>>
          %dma_wait3A_188 = tpu.memref_squeeze %dma_wait3A_187 : memref<1x!tpu.dma_semaphore, #tpu.memory_space<semaphore_mem>> -> memref<!tpu.dma_semaphore, #tpu.memory_space<semaphore_mem>>
          tpu.wait_indirect_dma semaphore(%dma_wait3A_188 : memref<!tpu.dma_semaphore, #tpu.memory_space<semaphore_mem>>) src(%dma_wait3A_180 : memref<125x64xf32, #tpu.memory_space<vmem>>) dst(%dma_wait3A_186 : memref<10000x64xf32, #tpu.memory_space<vmem_shared>>)
        } else {
        }
        %dma_start3A_164 = arith.constant 0 : i32
        %dma_start3A_165 = arith.constant 0 : i32
        %dma_start3A_166 = tpu.memref_slice %arg8[%rem3A_159, %dma_start3A_164, %dma_start3A_165] : memref<8x125x64xf32, #tpu.memory_space<vmem>> -> memref<1x125x64xf32, #tpu.memory_space<vmem>>
        %dma_start3A_167 = tpu.memref_squeeze %dma_start3A_166 : memref<1x125x64xf32, #tpu.memory_space<vmem>> -> memref<125x64xf32, #tpu.memory_space<vmem>>
        %dma_start3A_168 = arith.constant 0 : i32
        %dma_start3A_169 = tpu.memref_slice %arg6[%add3A_155, %dma_start3A_168] : memref<80x125xi32, #tpu.memory_space<vmem>> -> memref<1x125xi32, #tpu.memory_space<vmem>>
        %dma_start3A_170 = tpu.memref_squeeze %dma_start3A_169 : memref<1x125xi32, #tpu.memory_space<vmem>> -> memref<125xi32, #tpu.memory_space<vmem>>
        %dma_start3A_171 = arith.constant 0 : i32
        %dma_start3A_172 = arith.constant 0 : i32
        %dma_start3A_173 = tpu.memref_slice %arg3[%dma_start3A_171, %dma_start3A_172] : memref<10000x64xf32, #tpu.memory_space<hbm>> -> memref<10000x64xf32, #tpu.memory_space<hbm>>
        %dma_start3A_174 = tpu.memref_slice %arg10[%rem3A_159] : memref<8x!tpu.dma_semaphore, #tpu.memory_space<semaphore_mem>> -> memref<1x!tpu.dma_semaphore, #tpu.memory_space<semaphore_mem>>
        %dma_start3A_175 = tpu.memref_squeeze %dma_start3A_174 : memref<1x!tpu.dma_semaphore, #tpu.memory_space<semaphore_mem>> -> memref<!tpu.dma_semaphore, #tpu.memory_space<semaphore_mem>>
        tpu.enqueue_indirect_dma source(%dma_start3A_173 : memref<10000x64xf32, #tpu.memory_space<hbm>>) target(%dma_start3A_167 : memref<125x64xf32, #tpu.memory_space<vmem>>) offsets(%dma_start3A_170 : memref<125xi32, #tpu.memory_space<vmem>>) semaphore(%dma_start3A_175 : memref<!tpu.dma_semaphore, #tpu.memory_space<semaphore_mem>>)
      } else {
      }
    }
    %scan3A_67 = arith.constant 80 : i32
    %dma_wait3A = arith.constant 4 : i32
    %dma_wait3A_68 = arith.constant 76 : i32
    %dma_wait3A_69 = arith.constant 4 : i32
    %dma_wait3A_70 = arith.constant 0 : i32
    %dma_wait3A_71 = arith.constant 0 : i32
    %dma_wait3A_72 = tpu.memref_slice %arg8[%dma_wait3A, %dma_wait3A_70, %dma_wait3A_71] : memref<8x125x64xf32, #tpu.memory_space<vmem>> -> memref<1x125x64xf32, #tpu.memory_space<vmem>>
    %dma_wait3A_73 = tpu.memref_squeeze %dma_wait3A_72 : memref<1x125x64xf32, #tpu.memory_space<vmem>> -> memref<125x64xf32, #tpu.memory_space<vmem>>
    %dma_wait3A_74 = arith.constant 0 : i32
    %dma_wait3A_75 = tpu.memref_slice %arg7[%dma_wait3A_68, %dma_wait3A_74] : memref<80x125xi32, #tpu.memory_space<vmem>> -> memref<1x125xi32, #tpu.memory_space<vmem>>
    %dma_wait3A_76 = tpu.memref_squeeze %dma_wait3A_75 : memref<1x125xi32, #tpu.memory_space<vmem>> -> memref<125xi32, #tpu.memory_space<vmem>>
    %dma_wait3A_77 = arith.constant 0 : i32
    %dma_wait3A_78 = arith.constant 0 : i32
    %dma_wait3A_79 = tpu.memref_slice %arg9[%dma_wait3A_77, %dma_wait3A_78] : memref<10000x64xf32, #tpu.memory_space<vmem_shared>> -> memref<10000x64xf32, #tpu.memory_space<vmem_shared>>
    %dma_wait3A_80 = tpu.memref_slice %arg11[%dma_wait3A_69] : memref<8x!tpu.dma_semaphore, #tpu.memory_space<semaphore_mem>> -> memref<1x!tpu.dma_semaphore, #tpu.memory_space<semaphore_mem>>
    %dma_wait3A_81 = tpu.memref_squeeze %dma_wait3A_80 : memref<1x!tpu.dma_semaphore, #tpu.memory_space<semaphore_mem>> -> memref<!tpu.dma_semaphore, #tpu.memory_space<semaphore_mem>>
    tpu.wait_indirect_dma semaphore(%dma_wait3A_81 : memref<!tpu.dma_semaphore, #tpu.memory_space<semaphore_mem>>) src(%dma_wait3A_73 : memref<125x64xf32, #tpu.memory_space<vmem>>) dst(%dma_wait3A_79 : memref<10000x64xf32, #tpu.memory_space<vmem_shared>>)
    %dma_wait3A_82 = arith.constant 5 : i32
    %dma_wait3A_83 = arith.constant 77 : i32
    %dma_wait3A_84 = arith.constant 5 : i32
    %dma_wait3A_85 = arith.constant 0 : i32
    %dma_wait3A_86 = arith.constant 0 : i32
    %dma_wait3A_87 = tpu.memref_slice %arg8[%dma_wait3A_82, %dma_wait3A_85, %dma_wait3A_86] : memref<8x125x64xf32, #tpu.memory_space<vmem>> -> memref<1x125x64xf32, #tpu.memory_space<vmem>>
    %dma_wait3A_88 = tpu.memref_squeeze %dma_wait3A_87 : memref<1x125x64xf32, #tpu.memory_space<vmem>> -> memref<125x64xf32, #tpu.memory_space<vmem>>
    %dma_wait3A_89 = arith.constant 0 : i32
    %dma_wait3A_90 = tpu.memref_slice %arg7[%dma_wait3A_83, %dma_wait3A_89] : memref<80x125xi32, #tpu.memory_space<vmem>> -> memref<1x125xi32, #tpu.memory_space<vmem>>
    %dma_wait3A_91 = tpu.memref_squeeze %dma_wait3A_90 : memref<1x125xi32, #tpu.memory_space<vmem>> -> memref<125xi32, #tpu.memory_space<vmem>>
    %dma_wait3A_92 = arith.constant 0 : i32
    %dma_wait3A_93 = arith.constant 0 : i32
    %dma_wait3A_94 = tpu.memref_slice %arg9[%dma_wait3A_92, %dma_wait3A_93] : memref<10000x64xf32, #tpu.memory_space<vmem_shared>> -> memref<10000x64xf32, #tpu.memory_space<vmem_shared>>
    %dma_wait3A_95 = tpu.memref_slice %arg11[%dma_wait3A_84] : memref<8x!tpu.dma_semaphore, #tpu.memory_space<semaphore_mem>> -> memref<1x!tpu.dma_semaphore, #tpu.memory_space<semaphore_mem>>
    %dma_wait3A_96 = tpu.memref_squeeze %dma_wait3A_95 : memref<1x!tpu.dma_semaphore, #tpu.memory_space<semaphore_mem>> -> memref<!tpu.dma_semaphore, #tpu.memory_space<semaphore_mem>>
    tpu.wait_indirect_dma semaphore(%dma_wait3A_96 : memref<!tpu.dma_semaphore, #tpu.memory_space<semaphore_mem>>) src(%dma_wait3A_88 : memref<125x64xf32, #tpu.memory_space<vmem>>) dst(%dma_wait3A_94 : memref<10000x64xf32, #tpu.memory_space<vmem_shared>>)
    %dma_wait3A_97 = arith.constant 6 : i32
    %dma_wait3A_98 = arith.constant 78 : i32
    %dma_wait3A_99 = arith.constant 6 : i32
    %dma_wait3A_100 = arith.constant 0 : i32
    %dma_wait3A_101 = arith.constant 0 : i32
    %dma_wait3A_102 = tpu.memref_slice %arg8[%dma_wait3A_97, %dma_wait3A_100, %dma_wait3A_101] : memref<8x125x64xf32, #tpu.memory_space<vmem>> -> memref<1x125x64xf32, #tpu.memory_space<vmem>>
    %dma_wait3A_103 = tpu.memref_squeeze %dma_wait3A_102 : memref<1x125x64xf32, #tpu.memory_space<vmem>> -> memref<125x64xf32, #tpu.memory_space<vmem>>
    %dma_wait3A_104 = arith.constant 0 : i32
    %dma_wait3A_105 = tpu.memref_slice %arg7[%dma_wait3A_98, %dma_wait3A_104] : memref<80x125xi32, #tpu.memory_space<vmem>> -> memref<1x125xi32, #tpu.memory_space<vmem>>
    %dma_wait3A_106 = tpu.memref_squeeze %dma_wait3A_105 : memref<1x125xi32, #tpu.memory_space<vmem>> -> memref<125xi32, #tpu.memory_space<vmem>>
    %dma_wait3A_107 = arith.constant 0 : i32
    %dma_wait3A_108 = arith.constant 0 : i32
    %dma_wait3A_109 = tpu.memref_slice %arg9[%dma_wait3A_107, %dma_wait3A_108] : memref<10000x64xf32, #tpu.memory_space<vmem_shared>> -> memref<10000x64xf32, #tpu.memory_space<vmem_shared>>
    %dma_wait3A_110 = tpu.memref_slice %arg11[%dma_wait3A_99] : memref<8x!tpu.dma_semaphore, #tpu.memory_space<semaphore_mem>> -> memref<1x!tpu.dma_semaphore, #tpu.memory_space<semaphore_mem>>
    %dma_wait3A_111 = tpu.memref_squeeze %dma_wait3A_110 : memref<1x!tpu.dma_semaphore, #tpu.memory_space<semaphore_mem>> -> memref<!tpu.dma_semaphore, #tpu.memory_space<semaphore_mem>>
    tpu.wait_indirect_dma semaphore(%dma_wait3A_111 : memref<!tpu.dma_semaphore, #tpu.memory_space<semaphore_mem>>) src(%dma_wait3A_103 : memref<125x64xf32, #tpu.memory_space<vmem>>) dst(%dma_wait3A_109 : memref<10000x64xf32, #tpu.memory_space<vmem_shared>>)
    %dma_wait3A_112 = arith.constant 7 : i32
    %dma_wait3A_113 = arith.constant 79 : i32
    %dma_wait3A_114 = arith.constant 7 : i32
    %dma_wait3A_115 = arith.constant 0 : i32
    %dma_wait3A_116 = arith.constant 0 : i32
    %dma_wait3A_117 = tpu.memref_slice %arg8[%dma_wait3A_112, %dma_wait3A_115, %dma_wait3A_116] : memref<8x125x64xf32, #tpu.memory_space<vmem>> -> memref<1x125x64xf32, #tpu.memory_space<vmem>>
    %dma_wait3A_118 = tpu.memref_squeeze %dma_wait3A_117 : memref<1x125x64xf32, #tpu.memory_space<vmem>> -> memref<125x64xf32, #tpu.memory_space<vmem>>
    %dma_wait3A_119 = arith.constant 0 : i32
    %dma_wait3A_120 = tpu.memref_slice %arg7[%dma_wait3A_113, %dma_wait3A_119] : memref<80x125xi32, #tpu.memory_space<vmem>> -> memref<1x125xi32, #tpu.memory_space<vmem>>
    %dma_wait3A_121 = tpu.memref_squeeze %dma_wait3A_120 : memref<1x125xi32, #tpu.memory_space<vmem>> -> memref<125xi32, #tpu.memory_space<vmem>>
    %dma_wait3A_122 = arith.constant 0 : i32
    %dma_wait3A_123 = arith.constant 0 : i32
    %dma_wait3A_124 = tpu.memref_slice %arg9[%dma_wait3A_122, %dma_wait3A_123] : memref<10000x64xf32, #tpu.memory_space<vmem_shared>> -> memref<10000x64xf32, #tpu.memory_space<vmem_shared>>
    %dma_wait3A_125 = tpu.memref_slice %arg11[%dma_wait3A_114] : memref<8x!tpu.dma_semaphore, #tpu.memory_space<semaphore_mem>> -> memref<1x!tpu.dma_semaphore, #tpu.memory_space<semaphore_mem>>
    %dma_wait3A_126 = tpu.memref_squeeze %dma_wait3A_125 : memref<1x!tpu.dma_semaphore, #tpu.memory_space<semaphore_mem>> -> memref<!tpu.dma_semaphore, #tpu.memory_space<semaphore_mem>>
    tpu.wait_indirect_dma semaphore(%dma_wait3A_126 : memref<!tpu.dma_semaphore, #tpu.memory_space<semaphore_mem>>) src(%dma_wait3A_118 : memref<125x64xf32, #tpu.memory_space<vmem>>) dst(%dma_wait3A_124 : memref<10000x64xf32, #tpu.memory_space<vmem_shared>>)
    %barrier3A_127 = arith.constant 0 : index
    tpu.barrier barrier_id(%barrier3A_127)
    "tpu.region"() ({
      %run_scoped3A_128 = tpu.sem_alloc : memref<!tpu.dma_semaphore, #tpu.memory_space<semaphore_mem>>
      %dma_start3A_129 = arith.constant 0 : i32
      %dma_start3A_130 = tpu.memref_slice %arg5[%arg0, %mul3A_3, %dma_start3A_129] : memref<2x10000x64xf32, #tpu.memory_space<hbm>> -> memref<1x640x64xf32, #tpu.memory_space<hbm>>
      %dma_start3A_131 = tpu.memref_squeeze %dma_start3A_130 : memref<1x640x64xf32, #tpu.memory_space<hbm>> -> memref<640x64xf32, #tpu.memory_space<hbm>>
      %dma_start3A_132 = arith.constant 0 : i32
      %dma_start3A_133 = tpu.memref_slice %arg9[%mul3A_3, %dma_start3A_132] : memref<10000x64xf32, #tpu.memory_space<vmem_shared>> -> memref<640x64xf32, #tpu.memory_space<vmem_shared>>
      tpu.enqueue_dma source(%dma_start3A_133 : memref<640x64xf32, #tpu.memory_space<vmem_shared>>) target(%dma_start3A_131 : memref<640x64xf32, #tpu.memory_space<hbm>>) target_semaphore(%run_scoped3A_128 : memref<!tpu.dma_semaphore, #tpu.memory_space<semaphore_mem>>)
      %dma_wait3A_134 = arith.constant 0 : i32
      %dma_wait3A_135 = tpu.memref_slice %arg5[%arg0, %mul3A_3, %dma_wait3A_134] : memref<2x10000x64xf32, #tpu.memory_space<hbm>> -> memref<1x640x64xf32, #tpu.memory_space<hbm>>
      %dma_wait3A_136 = tpu.memref_squeeze %dma_wait3A_135 : memref<1x640x64xf32, #tpu.memory_space<hbm>> -> memref<640x64xf32, #tpu.memory_space<hbm>>
      %dma_wait3A_137 = arith.constant 0 : i32
      %dma_wait3A_138 = tpu.memref_slice %arg9[%mul3A_3, %dma_wait3A_137] : memref<10000x64xf32, #tpu.memory_space<vmem_shared>> -> memref<640x64xf32, #tpu.memory_space<vmem_shared>>
      tpu.wait_dma2 semaphore(%run_scoped3A_128 : memref<!tpu.dma_semaphore, #tpu.memory_space<semaphore_mem>>) src(%dma_wait3A_138 : memref<640x64xf32, #tpu.memory_space<vmem_shared>>) dst(%dma_wait3A_136 : memref<640x64xf32, #tpu.memory_space<hbm>>)
      tpu.yield
    }) : () -> ()
    return
  }
}

module attributes {stable_mosaic.version = 14 : i64} {
  func.func @_g1_body(%arg0: i32, %arg1: memref<2000x128xf32, #tpu.memory_space<vmem>>, %arg2: memref<128x64xf32, #tpu.memory_space<vmem>>, %arg3: memref<2x2000x16xf32, #tpu.memory_space<vmem>>, %arg4: memref<2000x64xf32, #tpu.memory_space<vmem>>) attributes {dimension_semantics = [#tpu.dimension_semantics<arbitrary>], iteration_bounds = array<i64: 5>, scalar_prefetch = 0 : i64, scratch_operands = 0 : i64, tpu.core_type = #tpu.core_type<tc>, window_params = [{transform_indices = @transform_0, window_bounds = array<i64: 2000, 128>}, {pipeline_mode = #tpu.pipeline_mode<synchronous>, transform_indices = @transform_1, window_bounds = array<i64: 128, 64>}, {transform_indices = @transform_2, window_bounds = array<i64: 2, 2000, 16>}, {transform_indices = @transform_3, window_bounds = array<i64: 2000, 64>}]} {
    %get3A = arith.constant 0 : index
    %get3A_0 = arith.constant 0 : index
    %get3A_1 = arith.constant 0 : index
    %get3A_2 = vector.load %arg3[%get3A, %get3A_0, %get3A_1] : memref<2x2000x16xf32, #tpu.memory_space<vmem>>, vector<1x2000x16xf32>
    %get3A_3 = vector.shape_cast %get3A_2 : vector<1x2000x16xf32> to vector<2000x16xf32>
    %get3A_4 = arith.constant 1 : index
    %get3A_5 = arith.constant 0 : index
    %get3A_6 = arith.constant 0 : index
    %get3A_7 = vector.load %arg3[%get3A_4, %get3A_5, %get3A_6] : memref<2x2000x16xf32, #tpu.memory_space<vmem>>, vector<1x2000x16xf32>
    %get3A_8 = vector.shape_cast %get3A_7 : vector<1x2000x16xf32> to vector<2000x16xf32>
    %slice3A = vector.extract_strided_slice %get3A_3 {offsets = [0, 0], sizes = [2000, 1], strides = [1, 1]} : vector<2000x16xf32> to vector<2000x1xf32>
    %squeeze3A = vector.shape_cast %slice3A : vector<2000x1xf32> to vector<2000xf32>
    %slice3A_9 = vector.extract_strided_slice %get3A_8 {offsets = [0, 0], sizes = [2000, 1], strides = [1, 1]} : vector<2000x16xf32> to vector<2000x1xf32>
    %squeeze3A_10 = vector.shape_cast %slice3A_9 : vector<2000x1xf32> to vector<2000xf32>
    %add3A = arith.addf %squeeze3A, %squeeze3A_10 : vector<2000xf32>
    %add3A_11 = arith.constant 1.000000e+00 : f32
    %add3A_12 = vector.broadcast %add3A_11 : f32 to vector<2000xf32>
    %add3A_13 = arith.addf %add3A, %add3A_12 : vector<2000xf32>
    %rsqrt3A = math.rsqrt %add3A_13 : vector<2000xf32>
    %get3A_14 = arith.constant 0 : index
    %get3A_15 = arith.constant 0 : index
    %get3A_16 = vector.load %arg1[%get3A_14, %get3A_15] : memref<2000x128xf32, #tpu.memory_space<vmem>>, vector<2000x128xf32>
    %get3A_17 = arith.constant 0 : index
    %get3A_18 = arith.constant 0 : index
    %get3A_19 = vector.load %arg2[%get3A_17, %get3A_18] : memref<128x64xf32, #tpu.memory_space<vmem>>, vector<128x64xf32>
    %dot_general3A = arith.constant dense<0.000000e+00> : vector<2000x64xf32>
    %dot_general3A_20 = tpu.matmul %get3A_16, %get3A_19, %dot_general3A {dimension_numbers = #tpu.dot_dimension_numbers<[1], [0], [0], [1], [0, 0, 1, 1], [], []>, transpose_lhs_hint = false} : vector<2000x128xf32>, vector<128x64xf32>, vector<2000x64xf32> -> vector<2000x64xf32>
    %broadcast_in_dim3A = vector.shape_cast %rsqrt3A : vector<2000xf32> to vector<2000x1xf32>
    %mul3A = vector.broadcast %broadcast_in_dim3A : vector<2000x1xf32> to vector<2000x64xf32>
    %mul3A_21 = arith.mulf %dot_general3A_20, %mul3A : vector<2000x64xf32>
    %swap3A = arith.constant 0 : index
    %swap3A_22 = arith.constant 0 : index
    %swap3A_23 = vector.load %arg4[%swap3A, %swap3A_22] : memref<2000x64xf32, #tpu.memory_space<vmem>>, vector<2000x64xf32>
    tpu.vector_store %arg4[%swap3A, %swap3A_22], %mul3A_21 {strides = array<i32>} : memref<2000x64xf32, #tpu.memory_space<vmem>>, vector<2000x64xf32>,
    return
  }
  func.func @transform_0(%arg0: i32) -> (i32, i32) {
    %c0_i32 = arith.constant 0 : i32
    %c0_i32_0 = arith.constant 0 : i32
    return %arg0, %c0_i32 : i32, i32
  }
  func.func @transform_1(%arg0: i32) -> (i32, i32) {
    %c0_i32 = arith.constant 0 : i32
    %c0_i32_0 = arith.constant 0 : i32
    %c0_i32_1 = arith.constant 0 : i32
    return %c0_i32, %c0_i32_0 : i32, i32
  }
  func.func @transform_2(%arg0: i32) -> (i32, i32, i32) {
    %c0_i32 = arith.constant 0 : i32
    %c0_i32_0 = arith.constant 0 : i32
    %c0_i32_1 = arith.constant 0 : i32
    return %c0_i32, %arg0, %c0_i32_0 : i32, i32, i32
  }
  func.func @transform_3(%arg0: i32) -> (i32, i32) {
    %c0_i32 = arith.constant 0 : i32
    %c0_i32_0 = arith.constant 0 : i32
    return %arg0, %c0_i32 : i32, i32
  }
}

module attributes {stable_mosaic.version = 14 : i64} {
  func.func @_mid_body(%arg0: i32, %arg1: memref<2x2000x64xf32, #tpu.memory_space<vmem>>, %arg2: memref<2000x64xf32, #tpu.memory_space<vmem>>, %arg3: memref<2x2000x16xf32, #tpu.memory_space<vmem>>, %arg4: memref<64xf32, #tpu.memory_space<vmem>>, %arg5: memref<64x16xf32, #tpu.memory_space<vmem>>, %arg6: memref<2000x16xf32, #tpu.memory_space<vmem>>) attributes {dimension_semantics = [#tpu.dimension_semantics<arbitrary>], iteration_bounds = array<i64: 5>, scalar_prefetch = 0 : i64, scratch_operands = 0 : i64, tpu.core_type = #tpu.core_type<tc>, window_params = [{transform_indices = @transform_0, window_bounds = array<i64: 2, 2000, 64>}, {transform_indices = @transform_1, window_bounds = array<i64: 2000, 64>}, {transform_indices = @transform_2, window_bounds = array<i64: 2, 2000, 16>}, {pipeline_mode = #tpu.pipeline_mode<synchronous>, transform_indices = @transform_3, window_bounds = array<i64: 64>}, {pipeline_mode = #tpu.pipeline_mode<synchronous>, transform_indices = @transform_4, window_bounds = array<i64: 64, 16>}, {transform_indices = @transform_5, window_bounds = array<i64: 2000, 16>}]} {
    %get3A = arith.constant 0 : index
    %get3A_0 = arith.constant 0 : index
    %get3A_1 = arith.constant 0 : index
    %get3A_2 = vector.load %arg3[%get3A, %get3A_0, %get3A_1] : memref<2x2000x16xf32, #tpu.memory_space<vmem>>, vector<1x2000x16xf32>
    %get3A_3 = vector.shape_cast %get3A_2 : vector<1x2000x16xf32> to vector<2000x16xf32>
    %get3A_4 = arith.constant 1 : index
    %get3A_5 = arith.constant 0 : index
    %get3A_6 = arith.constant 0 : index
    %get3A_7 = vector.load %arg3[%get3A_4, %get3A_5, %get3A_6] : memref<2x2000x16xf32, #tpu.memory_space<vmem>>, vector<1x2000x16xf32>
    %get3A_8 = vector.shape_cast %get3A_7 : vector<1x2000x16xf32> to vector<2000x16xf32>
    %slice3A = vector.extract_strided_slice %get3A_3 {offsets = [0, 0], sizes = [2000, 1], strides = [1, 1]} : vector<2000x16xf32> to vector<2000x1xf32>
    %squeeze3A = vector.shape_cast %slice3A : vector<2000x1xf32> to vector<2000xf32>
    %slice3A_9 = vector.extract_strided_slice %get3A_8 {offsets = [0, 0], sizes = [2000, 1], strides = [1, 1]} : vector<2000x16xf32> to vector<2000x1xf32>
    %squeeze3A_10 = vector.shape_cast %slice3A_9 : vector<2000x1xf32> to vector<2000xf32>
    %add3A = arith.addf %squeeze3A, %squeeze3A_10 : vector<2000xf32>
    %add3A_11 = arith.constant 1.000000e+00 : f32
    %add3A_12 = vector.broadcast %add3A_11 : f32 to vector<2000xf32>
    %add3A_13 = arith.addf %add3A, %add3A_12 : vector<2000xf32>
    %rsqrt3A = math.rsqrt %add3A_13 : vector<2000xf32>
    %broadcast_in_dim3A = vector.shape_cast %rsqrt3A : vector<2000xf32> to vector<2000x1xf32>
    %get3A_14 = arith.constant 0 : index
    %get3A_15 = arith.constant 0 : index
    %get3A_16 = arith.constant 0 : index
    %get3A_17 = vector.load %arg1[%get3A_14, %get3A_15, %get3A_16] : memref<2x2000x64xf32, #tpu.memory_space<vmem>>, vector<1x2000x64xf32>
    %get3A_18 = vector.shape_cast %get3A_17 : vector<1x2000x64xf32> to vector<2000x64xf32>
    %get3A_19 = arith.constant 1 : index
    %get3A_20 = arith.constant 0 : index
    %get3A_21 = arith.constant 0 : index
    %get3A_22 = vector.load %arg1[%get3A_19, %get3A_20, %get3A_21] : memref<2x2000x64xf32, #tpu.memory_space<vmem>>, vector<1x2000x64xf32>
    %get3A_23 = vector.shape_cast %get3A_22 : vector<1x2000x64xf32> to vector<2000x64xf32>
    %add3A_24 = arith.addf %get3A_18, %get3A_23 : vector<2000x64xf32>
    %get3A_25 = arith.constant 0 : index
    %get3A_26 = arith.constant 0 : index
    %get3A_27 = vector.load %arg2[%get3A_25, %get3A_26] : memref<2000x64xf32, #tpu.memory_space<vmem>>, vector<2000x64xf32>
    %add3A_28 = arith.addf %add3A_24, %get3A_27 : vector<2000x64xf32>
    %mul3A = vector.broadcast %broadcast_in_dim3A : vector<2000x1xf32> to vector<2000x64xf32>
    %mul3A_29 = arith.mulf %mul3A, %add3A_28 : vector<2000x64xf32>
    %get3A_30 = arith.constant 0 : index
    %get3A_31 = vector.load %arg4[%get3A_30] : memref<64xf32, #tpu.memory_space<vmem>>, vector<64xf32>
    %broadcast_in_dim3A_32 = vector.shape_cast %get3A_31 : vector<64xf32> to vector<1x64xf32>
    %add3A_33 = vector.broadcast %broadcast_in_dim3A_32 : vector<1x64xf32> to vector<2000x64xf32>
    %add3A_34 = arith.addf %mul3A_29, %add3A_33 : vector<2000x64xf32>
    %max3A = arith.constant 0.000000e+00 : f32
    %max3A_35 = vector.broadcast %max3A : f32 to vector<2000x64xf32>
    %max3A_36 = arith.maximumf %add3A_34, %max3A_35 : vector<2000x64xf32>
    %get3A_37 = arith.constant 0 : index
    %get3A_38 = arith.constant 0 : index
    %get3A_39 = vector.load %arg5[%get3A_37, %get3A_38] : memref<64x16xf32, #tpu.memory_space<vmem>>, vector<64x16xf32>
    %dot_general3A = arith.constant dense<0.000000e+00> : vector<2000x16xf32>
    %dot_general3A_40 = tpu.matmul %max3A_36, %get3A_39, %dot_general3A {dimension_numbers = #tpu.dot_dimension_numbers<[1], [0], [0], [1], [0, 0, 1, 1], [], []>, transpose_lhs_hint = false} : vector<2000x64xf32>, vector<64x16xf32>, vector<2000x16xf32> -> vector<2000x16xf32>
    %broadcast_in_dim3A_41 = vector.shape_cast %rsqrt3A : vector<2000xf32> to vector<2000x1xf32>
    %mul3A_42 = vector.broadcast %broadcast_in_dim3A_41 : vector<2000x1xf32> to vector<2000x16xf32>
    %mul3A_43 = arith.mulf %dot_general3A_40, %mul3A_42 : vector<2000x16xf32>
    %swap3A = arith.constant 0 : index
    %swap3A_44 = arith.constant 0 : index
    %swap3A_45 = vector.load %arg6[%swap3A, %swap3A_44] : memref<2000x16xf32, #tpu.memory_space<vmem>>, vector<2000x16xf32>
    tpu.vector_store %arg6[%swap3A, %swap3A_44], %mul3A_43 {strides = array<i32>} : memref<2000x16xf32, #tpu.memory_space<vmem>>, vector<2000x16xf32>,
    return
  }
  func.func @transform_0(%arg0: i32) -> (i32, i32, i32) {
    %c0_i32 = arith.constant 0 : i32
    %c0_i32_0 = arith.constant 0 : i32
    %c0_i32_1 = arith.constant 0 : i32
    return %c0_i32, %arg0, %c0_i32_0 : i32, i32, i32
  }
  func.func @transform_1(%arg0: i32) -> (i32, i32) {
    %c0_i32 = arith.constant 0 : i32
    %c0_i32_0 = arith.constant 0 : i32
    return %arg0, %c0_i32 : i32, i32
  }
  func.func @transform_2(%arg0: i32) -> (i32, i32, i32) {
    %c0_i32 = arith.constant 0 : i32
    %c0_i32_0 = arith.constant 0 : i32
    %c0_i32_1 = arith.constant 0 : i32
    return %c0_i32, %arg0, %c0_i32_0 : i32, i32, i32
  }
  func.func @transform_3(%arg0: i32) -> i32 {
    %c0_i32 = arith.constant 0 : i32
    %c0_i32_0 = arith.constant 0 : i32
    return %c0_i32 : i32
  }
  func.func @transform_4(%arg0: i32) -> (i32, i32) {
    %c0_i32 = arith.constant 0 : i32
    %c0_i32_0 = arith.constant 0 : i32
    %c0_i32_1 = arith.constant 0 : i32
    return %c0_i32, %c0_i32_0 : i32, i32
  }
  func.func @transform_5(%arg0: i32) -> (i32, i32) {
    %c0_i32 = arith.constant 0 : i32
    %c0_i32_0 = arith.constant 0 : i32
    return %arg0, %c0_i32 : i32, i32
  }
}

module attributes {stable_mosaic.version = 14 : i64} {
  func.func @_out_body(%arg0: i32, %arg1: memref<2x2000x16xf32, #tpu.memory_space<vmem>>, %arg2: memref<2000x16xf32, #tpu.memory_space<vmem>>, %arg3: memref<2x2000x16xf32, #tpu.memory_space<vmem>>, %arg4: memref<16xf32, #tpu.memory_space<vmem>>, %arg5: memref<2000x16xf32, #tpu.memory_space<vmem>>) attributes {dimension_semantics = [#tpu.dimension_semantics<arbitrary>], iteration_bounds = array<i64: 5>, scalar_prefetch = 0 : i64, scratch_operands = 0 : i64, tpu.core_type = #tpu.core_type<tc>, window_params = [{transform_indices = @transform_0, window_bounds = array<i64: 2, 2000, 16>}, {transform_indices = @transform_1, window_bounds = array<i64: 2000, 16>}, {transform_indices = @transform_2, window_bounds = array<i64: 2, 2000, 16>}, {pipeline_mode = #tpu.pipeline_mode<synchronous>, transform_indices = @transform_3, window_bounds = array<i64: 16>}, {transform_indices = @transform_4, window_bounds = array<i64: 2000, 16>}]} {
    %get3A = arith.constant 0 : index
    %get3A_0 = arith.constant 0 : index
    %get3A_1 = arith.constant 0 : index
    %get3A_2 = vector.load %arg3[%get3A, %get3A_0, %get3A_1] : memref<2x2000x16xf32, #tpu.memory_space<vmem>>, vector<1x2000x16xf32>
    %get3A_3 = vector.shape_cast %get3A_2 : vector<1x2000x16xf32> to vector<2000x16xf32>
    %get3A_4 = arith.constant 1 : index
    %get3A_5 = arith.constant 0 : index
    %get3A_6 = arith.constant 0 : index
    %get3A_7 = vector.load %arg3[%get3A_4, %get3A_5, %get3A_6] : memref<2x2000x16xf32, #tpu.memory_space<vmem>>, vector<1x2000x16xf32>
    %get3A_8 = vector.shape_cast %get3A_7 : vector<1x2000x16xf32> to vector<2000x16xf32>
    %slice3A = vector.extract_strided_slice %get3A_3 {offsets = [0, 0], sizes = [2000, 1], strides = [1, 1]} : vector<2000x16xf32> to vector<2000x1xf32>
    %squeeze3A = vector.shape_cast %slice3A : vector<2000x1xf32> to vector<2000xf32>
    %slice3A_9 = vector.extract_strided_slice %get3A_8 {offsets = [0, 0], sizes = [2000, 1], strides = [1, 1]} : vector<2000x16xf32> to vector<2000x1xf32>
    %squeeze3A_10 = vector.shape_cast %slice3A_9 : vector<2000x1xf32> to vector<2000xf32>
    %add3A = arith.addf %squeeze3A, %squeeze3A_10 : vector<2000xf32>
    %add3A_11 = arith.constant 1.000000e+00 : f32
    %add3A_12 = vector.broadcast %add3A_11 : f32 to vector<2000xf32>
    %add3A_13 = arith.addf %add3A, %add3A_12 : vector<2000xf32>
    %rsqrt3A = math.rsqrt %add3A_13 : vector<2000xf32>
    %broadcast_in_dim3A = vector.shape_cast %rsqrt3A : vector<2000xf32> to vector<2000x1xf32>
    %get3A_14 = arith.constant 0 : index
    %get3A_15 = arith.constant 0 : index
    %get3A_16 = arith.constant 0 : index
    %get3A_17 = vector.load %arg1[%get3A_14, %get3A_15, %get3A_16] : memref<2x2000x16xf32, #tpu.memory_space<vmem>>, vector<1x2000x16xf32>
    %get3A_18 = vector.shape_cast %get3A_17 : vector<1x2000x16xf32> to vector<2000x16xf32>
    %get3A_19 = arith.constant 1 : index
    %get3A_20 = arith.constant 0 : index
    %get3A_21 = arith.constant 0 : index
    %get3A_22 = vector.load %arg1[%get3A_19, %get3A_20, %get3A_21] : memref<2x2000x16xf32, #tpu.memory_space<vmem>>, vector<1x2000x16xf32>
    %get3A_23 = vector.shape_cast %get3A_22 : vector<1x2000x16xf32> to vector<2000x16xf32>
    %add3A_24 = arith.addf %get3A_18, %get3A_23 : vector<2000x16xf32>
    %get3A_25 = arith.constant 0 : index
    %get3A_26 = arith.constant 0 : index
    %get3A_27 = vector.load %arg2[%get3A_25, %get3A_26] : memref<2000x16xf32, #tpu.memory_space<vmem>>, vector<2000x16xf32>
    %add3A_28 = arith.addf %add3A_24, %get3A_27 : vector<2000x16xf32>
    %mul3A = vector.broadcast %broadcast_in_dim3A : vector<2000x1xf32> to vector<2000x16xf32>
    %mul3A_29 = arith.mulf %mul3A, %add3A_28 : vector<2000x16xf32>
    %get3A_30 = arith.constant 0 : index
    %get3A_31 = vector.load %arg4[%get3A_30] : memref<16xf32, #tpu.memory_space<vmem>>, vector<16xf32>
    %broadcast_in_dim3A_32 = vector.shape_cast %get3A_31 : vector<16xf32> to vector<1x16xf32>
    %add3A_33 = vector.broadcast %broadcast_in_dim3A_32 : vector<1x16xf32> to vector<2000x16xf32>
    %add3A_34 = arith.addf %mul3A_29, %add3A_33 : vector<2000x16xf32>
    %reduce_max3A = arith.constant dense<0xFF800000> : vector<2000xf32>
    %reduce_max3A_35 = vector.multi_reduction <maximumf>, %add3A_34, %reduce_max3A [1] : vector<2000x16xf32> to vector<2000xf32>
    %broadcast_in_dim3A_36 = vector.shape_cast %reduce_max3A_35 : vector<2000xf32> to vector<2000x1xf32>
    %sub3A = vector.broadcast %broadcast_in_dim3A_36 : vector<2000x1xf32> to vector<2000x16xf32>
    %sub3A_37 = arith.subf %add3A_34, %sub3A : vector<2000x16xf32>
    %exp3A = math.exp %sub3A_37 : vector<2000x16xf32>
    %reduce_sum3A = arith.constant dense<0.000000e+00> : vector<2000xf32>
    %reduce_sum3A_38 = vector.multi_reduction <add>, %exp3A, %reduce_sum3A [1] : vector<2000x16xf32> to vector<2000xf32>
    %broadcast_in_dim3A_39 = vector.shape_cast %reduce_sum3A_38 : vector<2000xf32> to vector<2000x1xf32>
    %div3A = vector.broadcast %broadcast_in_dim3A_39 : vector<2000x1xf32> to vector<2000x16xf32>
    %div3A_40 = arith.divf %exp3A, %div3A : vector<2000x16xf32>
    %swap3A = arith.constant 0 : index
    %swap3A_41 = arith.constant 0 : index
    %swap3A_42 = vector.load %arg5[%swap3A, %swap3A_41] : memref<2000x16xf32, #tpu.memory_space<vmem>>, vector<2000x16xf32>
    tpu.vector_store %arg5[%swap3A, %swap3A_41], %div3A_40 {strides = array<i32>} : memref<2000x16xf32, #tpu.memory_space<vmem>>, vector<2000x16xf32>,
    return
  }
  func.func @transform_0(%arg0: i32) -> (i32, i32, i32) {
    %c0_i32 = arith.constant 0 : i32
    %c0_i32_0 = arith.constant 0 : i32
    %c0_i32_1 = arith.constant 0 : i32
    return %c0_i32, %arg0, %c0_i32_0 : i32, i32, i32
  }
  func.func @transform_1(%arg0: i32) -> (i32, i32) {
    %c0_i32 = arith.constant 0 : i32
    %c0_i32_0 = arith.constant 0 : i32
    return %arg0, %c0_i32 : i32, i32
  }
  func.func @transform_2(%arg0: i32) -> (i32, i32, i32) {
    %c0_i32 = arith.constant 0 : i32
    %c0_i32_0 = arith.constant 0 : i32
    %c0_i32_1 = arith.constant 0 : i32
    return %c0_i32, %arg0, %c0_i32_0 : i32, i32, i32
  }
  func.func @transform_3(%arg0: i32) -> i32 {
    %c0_i32 = arith.constant 0 : i32
    %c0_i32_0 = arith.constant 0 : i32
    return %c0_i32 : i32
  }
  func.func @transform_4(%arg0: i32) -> (i32, i32) {
    %c0_i32 = arith.constant 0 : i32
    %c0_i32_0 = arith.constant 0 : i32
    return %arg0, %c0_i32 : i32, i32
  }
}

</mosaic_0001>

<sc_bundles>
// kernel: kernel.11.cloned.1.call-start
scs
__scs_entry_jumppad:
0x0: {  	(pc) =	sbr.rel $0x88, $3  }
0x1: {  	(tag) =	ssettag $0x0;
	lr =	simm.s32 $0x1  }
0x2: {  	[smem:$0x3F9B] =	sst lr;
	_ =	strace $0xD0000000  }
0x3: {  	_ = 	snop  }
0x4: {  	_ = 	snop  }
0x5: {  	_ = 	snop  }
0x6: {  	_ = 	snop  }
0x7: {  	_ = 	snop  }
__scs_overlays_trampoline_lowered:
0x8: {  	[smem:$0x3FAA] =	sst s0  }
0x9: {  	[smem:$0x3FAB] =	sst s1  }
0xa: {  	[smem:$0x3FAC] =	sst s2  }
0xb: {  	[smem:$0x3FAD] =	sst s3  }
0xc: {  	[smem:$0x3FAE] =	sst s4  }
0xd: {  	[smem:$0x3FAF] =	sst s5  }
0xe: {  	[smem:$0x3FB0] =	sst s6  }
0xf: {  	[smem:$0x3FB1] =	sst s7  }
0x10: {  	[smem:$0x3FB2] =	sst s8  }
0x11: {  	[smem:$0x3FB3] =	sst s9;
	s0 =	simm.s32 @!p0 $0x0  }
0x12: {  	s1 =	sld [smem:$0x3F99];
	s0 =	simm.s32 @p0 $0x1  }
0x13: {  	[smem:$0x3FB4] =	sst s0;
	s0 =	simm.s32 @!p1 $0x0  }
0x14: {  	s2 =	sld [smem:$0x3F98];
	s0 =	simm.s32 @p1 $0x1  }
0x15: {  	[smem:$0x3FB5] =	sst s0;
	s0 =	simm.s32 @!p2 $0x0  }
0x16: {  	s3 =	sld [smem:$0x3FDB];
	s0 =	simm.s32 @p2 $0x1  }
0x17: {  	s4 =	simm.s32 $0x1BF5;
	[smem:$0x3FB7] =	sst s0  }
0x18: {  	s0 =	sld [smem:$0x3F9A];
	_ =	swait.ge [sflag:s4], $0x0  }
0x19: {  	s7 =	sld [smem:$0x3F9B]  }
0x1a: {  	s8 =	sadd.s32 $0xFFFFE003, lr  }
0x1b: {  	s9 =	sadd.s32 $0xFFFFFEF7, lr;
	s5 =	simm.s32 $0xFFFFFFFF;
	p2 =	slt.u32 s8, $0xFFFFF086  }
0x1c: {  	p1 =	slt.u32 s9, $0xF7A;
	s5 =	simm.s32 @!p2 $0x0  }
0x1d: {  	s5 =	simm.s32 @p1 $0x1;
	p0 =	seq.s32 s7, s2  }
0x1e: {  	s7 =	smul.u32 @!p0 $0xF7A, s2;
	p2 =	seq.s32 @!p0 s5, $0x0  }
0x1f: {  	s9 =	smul.u32 $0xF7A, s1;
	s8 =	simm.s32 @!p0 $0x1BF5;
	p2 =	por !p2, p0  }
0x20: {  	[sflag:s8] =	ssyncset.s32 @!p0 $0xFFFFF086;
	s6 =	sadd.s32 @!p0 s3, s7;
	s7 =	simm.s32 @!p0 $0x108  }
0x21: {  	s3 =	sadd.s32 s3, s9;
	s6 =	sadd.s32 @!p0 $0x88, s6;
	s7 =	simm.s32 @p2 $0x1082  }
0x22: {  	[simem:s7], [sflag:s8] =	dma.local @!p0 [hbm:s6], $0xF7A  }
0x23: {  	s9 =	sor.u32 $0xD0000000, s2;
	s6 =	simm.s32 $0x108;
	_ =	swait.ge @!p0 [sflag:s8], $0x0  }
0x24: {  	s3 =	sadd.s32 $0x88, s3;
	s6 =	simm.s32 @!p1 $0x1082;
	[sflag:s4] =	ssyncset.s32 $0xFFFFF086  }
0x25: {  	[simem:s6], [sflag:s4] =	dma.local [hbm:s3], $0xF7A  }
0x26: {  	[smem:$0x3F9B] =	sst s1;
	(tag) =	ssettag s2;
	_ =	strace s9  }
0x27: {  	s1 =	sld [smem:$0x3FAB]  }
0x28: {  	s2 =	sld [smem:$0x3FAC]  }
0x29: {  	s4 =	sld [smem:$0x3FAE]  }
0x2a: {  	p0 =	seq.s32 s5, $0x0;
	s5 =	sld [smem:$0x3FAF]  }
0x2b: {  	s6 =	sld [smem:$0x3FB0]  }
0x2c: {  	s7 =	sld [smem:$0x3FB1]  }
0x2d: {  	s3 =	simm.s32 $0x108;
	s8 =	sld [smem:$0x3FB2]  }
0x2e: {  	s3 =	simm.s32 @!p0 $0x1082;
	s9 =	sld [smem:$0x3FB3]  }
0x2f: {  	lr =	sadd.s32 s0, s3;
	s0 =	sld [smem:$0x3FAA]  }
0x30: {  	s3 =	sld [smem:$0x3FAD]  }
0x31: {  	[smem:$0x3FB6] =	sst s10  }
0x32: {  	s10 =	sld [smem:$0x3FB4];
	_ =	sdelay $0x3  }
0x33: {  	p0 =	seq.s32 s10, $0x1;
	s10 =	sld [smem:$0x3FB6];
	_ =	sdelay $0x3  }
0x34: {  	[smem:$0x3FB6] =	sst s10  }
0x35: {  	s10 =	sld [smem:$0x3FB5];
	_ =	sdelay $0x3  }
0x36: {  	p1 =	seq.s32 s10, $0x1;
	s10 =	sld [smem:$0x3FB6];
	_ =	sdelay $0x3  }
0x37: {  	[smem:$0x3FB6] =	sst s10  }
0x38: {  	s10 =	sld [smem:$0x3FB7]  }
0x39: {  	_ = 	snop;
	(pc) =	sbr.ind lr, $3  }
0x3a: {  	_ = 	snop  }
0x3b: {  	_ = 	snop  }
0x3c: {  	p2 =	seq.s32 s10, $0x1;
	s10 =	sld [smem:$0x3FB6]  }
0x3d: {  	_ =	shalt  }
0x3e: {  	_ =	shalt  }
0x3f: {  	_ =	shalt  }
0x40: {  	_ =	shalt  }
0x41: {  	_ =	shalt  }
0x42: {  	_ =	shalt  }
0x43: {  	_ =	shalt  }
0x44: {  	_ =	shalt  }
0x45: {  	_ =	shalt  }
0x46: {  	_ =	shalt  }
0x47: {  	_ =	shalt  }
0x48: {  	_ =	shalt  }
0x49: {  	_ =	shalt  }
0x4a: {  	_ =	shalt  }
0x4b: {  	_ =	shalt  }
0x4c: {  	_ =	shalt  }
0x4d: {  	_ =	shalt  }
0x4e: {  	_ =	shalt  }
0x4f: {  	_ =	shalt  }
0x50: {  	_ =	shalt  }
0x51: {  	_ =	shalt  }
0x52: {  	_ =	shalt  }
0x53: {  	_ =	shalt  }
0x54: {  	_ =	shalt  }
0x55: {  	_ =	shalt  }
0x56: {  	_ =	shalt  }
0x57: {  	_ =	shalt  }
0x58: {  	_ =	shalt  }
0x59: {  	_ =	shalt  }
0x5a: {  	_ =	shalt  }
0x5b: {  	_ =	shalt  }
0x5c: {  	_ =	shalt  }
0x5d: {  	_ =	shalt  }
0x5e: {  	_ =	shalt  }
0x5f: {  	_ =	shalt  }
0x60: {  	_ =	shalt  }
0x61: {  	_ =	shalt  }
0x62: {  	_ =	shalt  }
0x63: {  	_ =	shalt  }
0x64: {  	_ =	shalt  }
0x65: {  	_ =	shalt  }
0x66: {  	_ =	shalt  }
0x67: {  	_ =	shalt  }
0x68: {  	_ =	shalt  }
0x69: {  	_ =	shalt  }
0x6a: {  	_ =	shalt  }
0x6b: {  	_ =	shalt  }
0x6c: {  	_ =	shalt  }
0x6d: {  	_ =	shalt  }
0x6e: {  	_ =	shalt  }
0x6f: {  	_ =	shalt  }
0x70: {  	_ =	shalt  }
0x71: {  	_ =	shalt  }
0x72: {  	_ =	shalt  }
0x73: {  	_ =	shalt  }
0x74: {  	_ =	shalt  }
0x75: {  	_ =	shalt  }
0x76: {  	_ =	shalt  }
0x77: {  	_ =	shalt  }
0x78: {  	_ =	shalt  }
0x79: {  	_ =	shalt  }
0x7a: {  	_ =	shalt  }
0x7b: {  	_ =	shalt  }
0x7c: {  	_ =	shalt  }
0x7d: {  	_ =	shalt  }
0x7e: {  	_ =	shalt  }
0x7f: {  	_ =	shalt  }
0x80: {  	_ =	shalt  }
0x81: {  	_ =	shalt  }
0x82: {  	_ =	shalt  }
0x83: {  	_ =	shalt  }
0x84: {  	_ =	shalt  }
0x85: {  	_ =	shalt  }
0x86: {  	_ =	shalt  }
0x87: {  	_ =	shalt  }
.Lfunc_end0:
.L_simem_size_0:
called_computation.1_lowered:
.L_overlay_start_0:
0x88: {  	s2 =	sld [smem:$0x3FD9]  }
0x89: {  	s3 =	sld [smem:$0x3FFE];
	_ =	sdelay $0x1  }
0x8a: {  	s1 =	srdreg.scid  }
0x8b: {  	s0 =	sand.u32 $0x1, s1  }
0x8c: {  	s16 =	sshll.u32 s0, $0xA;
	s2 =	sadd.s32 s3, s2  }
0x8d: {  	s2 =	sadd.s32 s2, s16  }
0x8e: {  	[smem:$0x3FC2] =	sst s2  }
0x8f: {  	_ = 	snop  }
0x90: {  	(tm) =	ssettm $0x1  }
0x91: {  	s17 =	sld [smem:$0x3FFB];
	_ =	sdelay $0x3  }
0x92: {  	_ =	strace s17  }
0x93: {  	s2 =	sld [smem:$0x3FFC];
	_ =	sdelay $0x3  }
0x94: {  	_ =	strace s2  }
0x95: {  	s2 =	sld [smem:$0x3FFD];
	_ =	sdelay $0x3  }
0x96: {  	_ =	strace s2  }
0x97: {  	_ =	strace $0x8FFFFFFF  }
0x98: {  	s18 =	sld [smem:$0x3FDB];
	_ =	sdelay $0x1  }
0x99: {  	s19 =	simm.s32 $_scs_section_size  }
0x9a: {  	s4 =	simm.s32 $_size__tile_overlayer_lowered;
	s5 =	simm.s32 $_tile_overlayer_lowered  }
0x9b: {  	s22 =	simm.s32 $0x1BFF;
	s21 =	sshll.u32 s5, $0x1;
	s2 =	sadd.s32 s19, s18  }
0x9c: {  	s6 =	simm.s32 $0x0;
	s20 =	sshll.u32 s4, $0x1;
	s4 =	sadd.s32 s21, s2  }
0x9d: {  	[timem:s6], [sflag:s22] =	dma.local [hbm:s4], s20  }
0x9e: {  	_ =	swait.ge [sflag:s22], s20  }
0x9f: {  	s3 =	ssub.s32 $0x0, s20;
	[sflag:s22] =	ssyncset.done $0x0  }
0xa0: {  	[sflag:s22] =	ssyncadd.s32 s3;
	_ =	sdelay $0x1  }
0xa1: {  	s23 =	simm.s32 $0x1B8B  }
0xa2: {  	_ =	swait.ge [sflag:s23], $0x1  }
0xa3: {  	[sflag:s23] =	ssyncset.done $0x0  }
0xa4: {  	s25 =	simm.s32 $0x1B8E;
	s24 =	sld [smem:$0x3FFE];
	[sflag:s23] =	ssyncadd.s32 $0xFFFFFFFF  }
0xa5: {  	s26 =	simm.s32 $execute0_lowered;
	[smem:$0x3FD2] =	sst s25  }
0xa6: {  	s4 =	sshll.u32 s26, $0x1;
	_ =	strace $0x80000049;
	[dreg:$0x1] =	wrdreg $0xFFFFFFFF  }
0xa7: {  	s28 =	simm.s32 $_size_execute0_lowered;
	s2 =	sadd.s32 s2, s4;
	[dreg:$0x0] =	wrdreg $0x0  }
0xa8: {  	s4 =	sshll.u32 s28, $0x1;
	[dreg:$0x2] =	wrdreg s2  }
0xa9: {  	[dreg:$0x3] =	wrdreg s4  }
0xaa: {  	[dreg:$0x4] =	wrdreg $0xC0  }
0xab: {  	_ =	task [dreg:s6], $0x5FFFF  }
0xac: {  	[dreg:$0x1] =	wrdreg $0xFFFFFFFF  }
0xad: {  	[dreg:$0x0] =	wrdreg $0x60  }
0xae: {  	[dreg:$0x2] =	wrdreg s24  }
0xaf: {  	[dreg:$0x3] =	wrdreg $0x14A000  }
0xb0: {  	[dreg:$0x4] =	wrdreg $0x9  }
0xb1: {  	_ =	task.clear_ibuf [dreg:s6], $0x5FFFF;
	_ =	strace $0x90000049  }
0xb2: {  	s29 =	simm.s32 $0x9;
	_ =	strace $0x8000004B  }
0xb3: {  	_ =	swait.ge [sflag:s29], $0x1  }
0xb4: {  	[sflag:s29] =	ssyncadd.s32 $0xFFFFFFFF  }
0xb5: {  	_ =	strace $0x9000004B  }
0xb6: {  	_ =	sfence  }
0xb7: {  	s30 =	sld [smem:$0x0];
	_ =	sdelay $0x2  }
0xb8: {  	s31 =	sshll.u32 s1, $0xD;
	s1 =	sshrl.u32 s1, $0x2  }
0xb9: {  	s3 =	sand.u32 $0x4000, s31;
	s1 =	sadd.s32 s1, s30  }
0xba: {  	s0 =	sor.u32 s3, s0;
	s1 =	sshll.u32 s1, $0x11  }
0xbb: {  	s0 =	sor.u32 s1, s0  }
0xbc: {  	s0 =	sadd.s32 $0x8F2B, s0  }
0xbd: {  	[sflag:s0] =	ssyncadd.remote.s32 $0x1  }
0xbe: {  	_ =	sfence.sel $0xFFFF  }
0xbf: {  	[dreg:$0x0] =	wrdreg $0xFFFFFFFF;
	(pc) =	sbr.abs _section_cstart, $3  }
0xc0: {  	[dreg:$0x1] =	wrdreg $0xFFFFFFFF  }
0xc1: {  	_ =	task.clear_ibuf [dreg:s6], $0x2FFFF;
	_ =	strace $0x9FFFFFFF  }
0xc2: {  	(tm) =	ssettm $0x7FFFFFFF  }
0xc3: {  	_ =	shalt  }
tec
execute0_lowered:
.L_overlay_start_1:
0x0: {  	(tag) =	ssettag $0x1  }
0x1: {  	s0 =	srdreg.scid;
	s5 =	rddreg [dreg:$0x0]  }
0x2: {  	s12 =	stileid.u32;
	s2 =	rddreg [dreg:$0x1];
	s3 =	simm.s32 $0x0  }
0x3: {  	s10 =	simm.s32 $0x11;
	s11 =	simm.s32 $0x2800;
	s14 =	simm.s32 $0x7D  }
0x4: {  	s15 =	simm.s32 $0x5000;
	s17 =	simm.s32 $0x6F40;
	s19 =	simm.s32 $0x8E80  }
0x5: {  	s21 =	simm.s32 $0xADC0;
	s22 =	simm.s32 $0x1;
	s30 =	simm.s32 $0x3  }
0x6: {  	s16 =	simm.s32 $0x4;
	s28 =	simm.s32 $0xF;
	s29 =	simm.s32 $0x10  }
0x7: {  	s31 =	simm.s32 $0x0;
	s0 =	sand.u32 $0x1, s0;
	s6 =	smul.u32 $0x9C00, s12  }
0x8: {  	[smem:$0x7FF] =	sst s3;
	s4 =	sadd.s32 $0x8B600, s5;
	s26 =	sshll.u32 s12, $0x6  }
0x9: {  	s1 =	sshll.u32 s0, $0x4;
	s7 =	smul.u32 $0x9C400, s0;
	_ =	strace $0x8000004A  }
0xa: {  	s0 =	ssub.s32 $0x2, s0;
	s1 =	sor.u32 s12, s1;
	s8 =	sshrl.u32 s6, $0x3  }
0xb: {  	s9 =	sshrl.u32 s0, $0x1;
	s24 =	sadd.s32 s6, s2;
	s1 =	smul.u32 $0x2800, s1  }
0xc: {  	s12 =	sor.u32 $0x1C11, s26;
	s26 =	simm.s32 $0xE;
	s7 =	sadd.s32 s6, s7  }
0xd: {  	s8 =	sadd.s32 s8, s5;
	s0 =	ssub.s32 s0, s9;
	s1 =	sshrl.u32 s1, $0x3  }
0xe: {  	s13 =	sshrl.u32 s24, $0x3;
	s25 =	sadd.s32 $0x9F000, s8;
	s1 =	sadd.s32 s1, s5  }
0xf: {  	s7 =	sshrl.u32 s7, $0x3;
	[dreg:$0x5] =	wrdreg s25;
	s23 =	sadd.s32 $0x2200, s1  }
0x10: {  	s5 =	sadd.s32 s7, s5;
	s1 =	sadd.s32 $0xC200, s1;
	[dreg:$0x3] =	wrdreg s23  }
0x11: {  	s24 =	simm.s32 $0xD;
	s5 =	sadd.s32 $0xB2A00, s5;
	[dreg:$0x4] =	wrdreg s1  }
0x12: {  	s9 =	smax.u32 s0, $0x1;
	s25 =	simm.s32 $0x2;
	[dreg:$0x6] =	wrdreg s5  }
.LBB2_1:
0x13: {  	s0 =	rddreg [dreg:$0x3]  }
0x14: {  	[tilespmem:s3], [sflag:$0x11] =	stream.linear.gather [hbm4b:s0+s3], $0x2800, $0x38;
	[tilespmem:$0x1E640] =	vst v63  }
0x15: {  	_ =	swait.ge [sflag:s10], $0x2800  }
0x16: {  	[sflag:s10] =	ssyncset.done $0x0  }
0x17: {  	s23 =	rddreg [dreg:$0x4];
	[sflag:s10] =	ssyncadd.s32 $0xFFFFD800  }
0x18: {  	[tilespmem:s11], [sflag:$0x11] =	stream.linear.gather [hbm4b:s23+s3], $0x2800, $0x38;
	[tilespmem:$0x1E640] =	vst v63  }
0x19: {  	_ =	swait.ge [sflag:s10], $0x2800  }
0x1a: {  	[sflag:s10] =	ssyncset.done $0x0  }
0x1b: {  	s1 =	rddreg [dreg:$0x5];
	[sflag:s10] =	ssyncadd.s32 $0xFFFFD800  }
0x1c: {  	[spmem:s13], [sflag:s12] =	dma.local [hbm:s1], $0x1400  }
0x1d: {  	_ =	swait.ge [sflag:s10], $0x1400  }
0x1e: {  	[sflag:s10] =	ssyncset.done $0x0  }
0x1f: {  	[sflag:s10] =	ssyncadd.s32 $0xFFFFEC00  }
0x20: {  	[bflag:$0x0] =	sbarrier.arrive $0xFFFF  }
0x21: {  	[tilespmem:s15], [sflag:$0x1] =	stream.indirect.gather [hbm4b:s4+s14], $0x40, s3, s14, $0xb8;
	[tilespmem:$0x1E640] =	vst v63  }
0x22: {  	s5 =	simm.s32 $0x80  }
0x23: {  	[tilespmem:s17], [sflag:$0x2] =	stream.indirect.gather [hbm4b:s4+s14], $0x40, s5, s14, $0xb8;
	[tilespmem:$0x1E640] =	vst v63  }
0x24: {  	s6 =	simm.s32 $0x100  }
0x25: {  	[tilespmem:s19], [sflag:$0x3] =	stream.indirect.gather [hbm4b:s4+s14], $0x40, s6, s14, $0xb8;
	[tilespmem:$0x1E640] =	vst v63  }
0x26: {  	s7 =	simm.s32 $0x180  }
0x27: {  	[tilespmem:s21], [sflag:$0x4] =	stream.indirect.gather [hbm4b:s4+s14], $0x40, s7, s14, $0xb8;
	[tilespmem:$0x1E640] =	vst v63  }
0x28: {  	_ =	swait.ge [sflag:s22], $0x1F40  }
0x29: {  	[sflag:s22] =	ssyncset.done $0x0  }
0x2a: {  	[sflag:s22] =	ssyncadd.s32 $0xFFFFE0C0  }
0x2b: {  	[spmem:s2] =	stream.indirect.scatter.add.f32 [tilespmem:s15], [sflag:$0x9], $0x40, s11, s14, $0xb8;
	[tilespmem:$0x1E640] =	vst v63  }
0x2c: {  	s8 =	simm.s32 $0x200;
	s1 =	simm.s32 $0xCD00  }
0x2d: {  	[tilespmem:s1], [sflag:$0x5] =	stream.indirect.gather [hbm4b:s4+s14], $0x40, s8, s14, $0xb8;
	[tilespmem:$0x1E640] =	vst v63  }
0x2e: {  	_ =	swait.ge [sflag:s25], $0x1F40  }
0x2f: {  	[sflag:s25] =	ssyncset.done $0x0  }
0x30: {  	s18 =	simm.s32 $0x2880;
	[sflag:s25] =	ssyncadd.s32 $0xFFFFE0C0  }
0x31: {  	[spmem:s2] =	stream.indirect.scatter.add.f32 [tilespmem:s17], [sflag:$0xA], $0x40, s18, s14, $0xb8;
	[tilespmem:$0x1E640] =	vst v63  }
0x32: {  	s20 =	simm.s32 $0x280;
	s23 =	simm.s32 $0xEC40  }
0x33: {  	[tilespmem:s23], [sflag:$0x6] =	stream.indirect.gather [hbm4b:s4+s14], $0x40, s20, s14, $0xb8;
	[tilespmem:$0x1E640] =	vst v63  }
0x34: {  	_ =	swait.ge [sflag:s30], $0x1F40  }
0x35: {  	[sflag:s30] =	ssyncset.done $0x0  }
0x36: {  	p0 =	por $0x0, $0x0;
	s5 =	simm.s32 $0x2900;
	[sflag:s30] =	ssyncadd.s32 $0xFFFFE0C0  }
0x37: {  	[spmem:s2] =	stream.indirect.scatter.add.f32 [tilespmem:s19], [sflag:$0xB], $0x40, s5, s14, $0xb8;
	[tilespmem:$0x1E640] =	vst v63  }
0x38: {  	s6 =	simm.s32 $0x300;
	s7 =	simm.s32 $0x10B80;
	s8 =	simm.s32 $0x2980  }
0x39: {  	[tilespmem:s7], [sflag:$0x7] =	stream.indirect.gather [hbm4b:s4+s14], $0x40, s6, s14, $0xb8;
	[tilespmem:$0x1E640] =	vst v63  }
0x3a: {  	s1 =	simm.s32 $0x400;
	s18 =	simm.s32 $0x380;
	_ =	swait.ge [sflag:s16], $0x1F40  }
0x3b: {  	s20 =	simm.s32 $0x12AC0;
	s23 =	simm.s32 $0x4;
	[sflag:s16] =	ssyncset.done $0x0  }
0x3c: {  	s0 =	sand.u32 $0x7, s23;
	s5 =	simm.s32 $0x8;
	[sflag:s16] =	ssyncadd.s32 $0xFFFFE0C0  }
0x3d: {  	[spmem:s2] =	stream.indirect.scatter.add.f32 [tilespmem:s21], [sflag:$0xC], $0x40, s8, s14, $0xb8;
	[tilespmem:$0x1E640] =	vst v63  }
0x3e: {  	s5 =	sand.u32 @!p0 $0x7, s5;
	s6 =	smul.u32 $0x7D00, s0;
	s7 =	sadd.s32 $0x1, s0  }
0x3f: {  	[tilespmem:s20], [sflag:$0x8] =	stream.indirect.gather [hbm4b:s4+s14], $0x40, s18, s14, $0xb8;
	[tilespmem:$0x1E640] =	vst v63  }
0x40: {  	s0 =	sadd.s32 $0x9, s0;
	s6 =	sshrl.u32 s6, $0x2;
	_ =	swait.ge [sflag:s7], $0x1F40  }
0x41: {  	s23 =	sadd.s32 @!p0 $0x9, s5;
	s6 =	sadd.s32 $0x5000, s6;
	[sflag:s7] =	ssyncset.done $0x0  }
0x42: {  	s18 =	simm.s32 $0x2A00;
	[sflag:s7] =	ssyncadd.s32 $0xFFFFE0C0;
	s7 =	smul.u32 @!p0 $0x7D00, s5  }
0x43: {  	[spmem:s2] =	stream.indirect.scatter.add.f32 [tilespmem:s6], [sflag:s0], $0x40, s18, s14, $0xb8;
	[tilespmem:$0x1E640] =	vst v63  }
0x44: {  	s20 =	simm.s32 $0x400;
	s5 =	sadd.s32 @!p0 $0x1, s5;
	s0 =	simm.s32 $0x9  }
0x45: {  	s18 =	simm.s32 $0x2A80;
	_ =	swait.ge @!p0 [sflag:s23], $0x1F40;
	s6 =	sshrl.u32 @!p0 s7, $0x2  }
0x46: {  	s7 =	simm.s32 @!p0 $0x7D;
	[sflag:s23] =	ssyncset.done @!p0 $0x0;
	s6 =	sadd.s32 @!p0 $0x5000, s6  }
.LBB2_2:
0x47: {  	[sflag:s23] =	ssyncadd.s32 @!p0 $0xFFFFE0C0  }
0x48: {  	s1 =	sadd.s32 $0x80, s1;
	s23 =	smov.u32 s0;
	s0 =	sadd.s32 $0x1, s0  }
0x49: {  	[tilespmem:s6], [sflag:s5] =	stream.indirect.gather @!p0 [hbm4b:s4+s7], $0x40, s20, s7, $0xb8;
	[tilespmem:$0x1E640] =	vst v63  }
0x4a: {  	s5 =	sadd.s32 $0xFFFFFFFC, s23;
	p1 =	sne.s32 s0, $0x54;
	s20 =	smov.u32 s1  }
0x4b: {  	s6 =	sand.u32 $0x7, s5  }
0x4c: {  	s7 =	smul.u32 $0x7D00, s6;
	s8 =	sadd.s32 $0x1, s6  }
0x4d: {  	p0 =	sgt.u32 s5, $0x4B;
	s6 =	sadd.s32 $0x9, s6;
	_ =	swait.ge [sflag:s8], $0x1F40  }
0x4e: {  	s5 =	sand.u32 @!p0 $0x7, s23;
	s7 =	sshrl.u32 s7, $0x2;
	[sflag:s8] =	ssyncset.done $0x0  }
.Ltmp0:
0x4f: {  	s7 =	sadd.s32 $0x5000, s7;
	[sflag:s8] =	ssyncadd.s32 $0xFFFFE0C0;
	(pc) =	sbr.rel @p1 .LBB2_2-.Ltmp0, $4  }
0x50: {  	s23 =	sadd.s32 @!p0 $0x9, s5;
	s8 =	smul.u32 @!p0 $0x7D00, s5;
	s5 =	sadd.s32 @!p0 $0x1, s5  }
0x51: {  	[spmem:s2] =	stream.indirect.scatter.add.f32 [tilespmem:s7], [sflag:s6], $0x40, s18, s14, $0xb8;
	[tilespmem:$0x1E640] =	vst v63  }
0x52: {  	s6 =	sshrl.u32 @!p0 s8, $0x2;
	s18 =	sadd.s32 $0x80, s18;
	_ =	swait.ge @!p0 [sflag:s23], $0x1F40  }
0x53: {  	s7 =	simm.s32 @!p0 $0x7D;
	s6 =	sadd.s32 @!p0 $0x5000, s6;
	[sflag:s23] =	ssyncset.done @!p0 $0x0  }
0x54: {  	[sflag:s23] =	ssyncadd.s32 @!p0 $0xFFFFE0C0  }
0x55: {  	[tilespmem:s6], [sflag:s5] =	stream.indirect.gather @!p0 [hbm4b:s4+s7], $0x40, s20, s7, $0xb8;
	[tilespmem:$0x1E640] =	vst v63  }
0x56: {  	_ =	swait.ge [sflag:s24], $0x1F40  }
0x57: {  	[sflag:s24] =	ssyncset.done $0x0  }
0x58: {  	[sflag:s24] =	ssyncadd.s32 $0xFFFFE0C0  }
0x59: {  	_ =	swait.ge [sflag:s26], $0x1F40  }
0x5a: {  	[sflag:s26] =	ssyncset.done $0x0  }
0x5b: {  	[sflag:s26] =	ssyncadd.s32 $0xFFFFE0C0  }
0x5c: {  	_ =	swait.ge [sflag:s28], $0x1F40  }
0x5d: {  	[sflag:s28] =	ssyncset.done $0x0  }
0x5e: {  	[sflag:s28] =	ssyncadd.s32 $0xFFFFE0C0  }
0x5f: {  	_ =	swait.ge [sflag:s29], $0x1F40  }
0x60: {  	[sflag:s29] =	ssyncset.done $0x0  }
0x61: {  	s31 =	sadd.s32 $0x1, s31;
	[sflag:s29] =	ssyncadd.s32 $0xFFFFE0C0  }
0x62: {  	p0 =	sne.s32 s31, s9;
	[bflag:$0x0] =	sbarrier.arrive $0xFFFF  }
.Ltmp1:
0x63: {  	s0 =	rddreg [dreg:$0x6];
	(pc) =	sbr.rel @p0 .LBB2_1-.Ltmp1, $4  }
0x64: {  	[hbm:s0], [sflag:s12] =	dma.local [spmem:s13], $0x1400  }
0x65: {  	_ =	swait.ge [sflag:s10], $0x1400  }
0x66: {  	[sflag:s10] =	ssyncset.done $0x0  }
0x67: {  	[sflag:s10] =	ssyncadd.s32 $0xFFFFEC00  }
0x68: {  	_ =	sfence.sel $0x180000  }
0x69: {  	[bflag:$0x0] =	sbarrier.arrive $0xFFFF  }
0x6a: {  	_ =	strace $0x9000004A  }
0x6b: {  	s0 =	stileid.u32;
	[bflag:$0x2] =	sbarrier.arrive $0xFFFF  }
0x6c: {  	p0 =	sne.s32 s0, $0x0;
	s0 =	rddreg [dreg:$0x2]  }
0x6d: {  	s0 =	sadd.s32 @!p0 $0x100000, s0  }
0x6e: {  	[sflag:s0] =	ssyncadd.tile.s32 @!p0 $0x1;
	_ =	shalt  }
.Lfunc_end2:
_tile_overlayer_lowered:
.L_overlay_start_2:
0x6f: {  	(tag) =	ssettag $0x2  }
0x70: {  	s0 =	rddreg [dreg:$0x0];
	s2 =	stileid.u32  }
0x71: {  	s1 =	rddreg [dreg:$0x1];
	p0 =	sne.s32 s2, $0x0  }
0x72: {  	s3 =	rddreg [dreg:$0x2];
	[bflag:$0x3] =	sbarrier.arrive $0xFFFF;
	s2 =	simm.s32 @!p0 $0x1C11  }
0x73: {  	[timem:s3], [sflag:s2] =	dma.local @!p0 [hbm:s0], s1  }
0x74: {  	s0 =	simm.s32 @!p0 $0x11  }
0x75: {  	_ =	swait.ge @!p0 [sflag:s0], s1  }
0x76: {  	s1 =	ssub.s32 @!p0 $0x0, s1;
	[sflag:s0] =	ssyncset.done @!p0 $0x0  }
0x77: {  	[sflag:s0] =	ssyncadd.s32 @!p0 s1  }
0x78: {  	[bflag:$0x3] =	sbarrier.arrive $0xFFFF  }
0x79: {  	_ =	shalt  }

// kernel: kernel.14.cloned.1.call-start
scs
__scs_entry_jumppad:
0x0: {  	(pc) =	sbr.rel $0x88, $3  }
0x1: {  	(tag) =	ssettag $0x0;
	lr =	simm.s32 $0x1  }
0x2: {  	[smem:$0x3F9B] =	sst lr;
	_ =	strace $0xD0000000  }
0x3: {  	_ = 	snop  }
0x4: {  	_ = 	snop  }
0x5: {  	_ = 	snop  }
0x6: {  	_ = 	snop  }
0x7: {  	_ = 	snop  }
__scs_overlays_trampoline_lowered:
0x8: {  	[smem:$0x3FAA] =	sst s0  }
0x9: {  	[smem:$0x3FAB] =	sst s1  }
0xa: {  	[smem:$0x3FAC] =	sst s2  }
0xb: {  	[smem:$0x3FAD] =	sst s3  }
0xc: {  	[smem:$0x3FAE] =	sst s4  }
0xd: {  	[smem:$0x3FAF] =	sst s5  }
0xe: {  	[smem:$0x3FB0] =	sst s6  }
0xf: {  	[smem:$0x3FB1] =	sst s7  }
0x10: {  	[smem:$0x3FB2] =	sst s8  }
0x11: {  	[smem:$0x3FB3] =	sst s9;
	s0 =	simm.s32 @!p0 $0x0  }
0x12: {  	s1 =	sld [smem:$0x3F99];
	s0 =	simm.s32 @p0 $0x1  }
0x13: {  	[smem:$0x3FB4] =	sst s0;
	s0 =	simm.s32 @!p1 $0x0  }
0x14: {  	s2 =	sld [smem:$0x3F98];
	s0 =	simm.s32 @p1 $0x1  }
0x15: {  	[smem:$0x3FB5] =	sst s0;
	s0 =	simm.s32 @!p2 $0x0  }
0x16: {  	s3 =	sld [smem:$0x3FDB];
	s0 =	simm.s32 @p2 $0x1  }
0x17: {  	s4 =	simm.s32 $0x1BF5;
	[smem:$0x3FB7] =	sst s0  }
0x18: {  	s0 =	sld [smem:$0x3F9A];
	_ =	swait.ge [sflag:s4], $0x0  }
0x19: {  	s7 =	sld [smem:$0x3F9B]  }
0x1a: {  	s8 =	sadd.s32 $0xFFFFE003, lr  }
0x1b: {  	s9 =	sadd.s32 $0xFFFFFEF7, lr;
	s5 =	simm.s32 $0xFFFFFFFF;
	p2 =	slt.u32 s8, $0xFFFFF086  }
0x1c: {  	p1 =	slt.u32 s9, $0xF7A;
	s5 =	simm.s32 @!p2 $0x0  }
0x1d: {  	s5 =	simm.s32 @p1 $0x1;
	p0 =	seq.s32 s7, s2  }
0x1e: {  	s7 =	smul.u32 @!p0 $0xF7A, s2;
	p2 =	seq.s32 @!p0 s5, $0x0  }
0x1f: {  	s9 =	smul.u32 $0xF7A, s1;
	s8 =	simm.s32 @!p0 $0x1BF5;
	p2 =	por !p2, p0  }
0x20: {  	[sflag:s8] =	ssyncset.s32 @!p0 $0xFFFFF086;
	s6 =	sadd.s32 @!p0 s3, s7;
	s7 =	simm.s32 @!p0 $0x108  }
0x21: {  	s3 =	sadd.s32 s3, s9;
	s6 =	sadd.s32 @!p0 $0x88, s6;
	s7 =	simm.s32 @p2 $0x1082  }
0x22: {  	[simem:s7], [sflag:s8] =	dma.local @!p0 [hbm:s6], $0xF7A  }
0x23: {  	s9 =	sor.u32 $0xD0000000, s2;
	s6 =	simm.s32 $0x108;
	_ =	swait.ge @!p0 [sflag:s8], $0x0  }
0x24: {  	s3 =	sadd.s32 $0x88, s3;
	s6 =	simm.s32 @!p1 $0x1082;
	[sflag:s4] =	ssyncset.s32 $0xFFFFF086  }
0x25: {  	[simem:s6], [sflag:s4] =	dma.local [hbm:s3], $0xF7A  }
0x26: {  	[smem:$0x3F9B] =	sst s1;
	(tag) =	ssettag s2;
	_ =	strace s9  }
0x27: {  	s1 =	sld [smem:$0x3FAB]  }
0x28: {  	s2 =	sld [smem:$0x3FAC]  }
0x29: {  	s4 =	sld [smem:$0x3FAE]  }
0x2a: {  	p0 =	seq.s32 s5, $0x0;
	s5 =	sld [smem:$0x3FAF]  }
0x2b: {  	s6 =	sld [smem:$0x3FB0]  }
0x2c: {  	s7 =	sld [smem:$0x3FB1]  }
0x2d: {  	s3 =	simm.s32 $0x108;
	s8 =	sld [smem:$0x3FB2]  }
0x2e: {  	s3 =	simm.s32 @!p0 $0x1082;
	s9 =	sld [smem:$0x3FB3]  }
0x2f: {  	lr =	sadd.s32 s0, s3;
	s0 =	sld [smem:$0x3FAA]  }
0x30: {  	s3 =	sld [smem:$0x3FAD]  }
0x31: {  	[smem:$0x3FB6] =	sst s10  }
0x32: {  	s10 =	sld [smem:$0x3FB4];
	_ =	sdelay $0x3  }
0x33: {  	p0 =	seq.s32 s10, $0x1;
	s10 =	sld [smem:$0x3FB6];
	_ =	sdelay $0x3  }
0x34: {  	[smem:$0x3FB6] =	sst s10  }
0x35: {  	s10 =	sld [smem:$0x3FB5];
	_ =	sdelay $0x3  }
0x36: {  	p1 =	seq.s32 s10, $0x1;
	s10 =	sld [smem:$0x3FB6];
	_ =	sdelay $0x3  }
0x37: {  	[smem:$0x3FB6] =	sst s10  }
0x38: {  	s10 =	sld [smem:$0x3FB7]  }
0x39: {  	_ = 	snop;
	(pc) =	sbr.ind lr, $3  }
0x3a: {  	_ = 	snop  }
0x3b: {  	_ = 	snop  }
0x3c: {  	p2 =	seq.s32 s10, $0x1;
	s10 =	sld [smem:$0x3FB6]  }
0x3d: {  	_ =	shalt  }
0x3e: {  	_ =	shalt  }
0x3f: {  	_ =	shalt  }
0x40: {  	_ =	shalt  }
0x41: {  	_ =	shalt  }
0x42: {  	_ =	shalt  }
0x43: {  	_ =	shalt  }
0x44: {  	_ =	shalt  }
0x45: {  	_ =	shalt  }
0x46: {  	_ =	shalt  }
0x47: {  	_ =	shalt  }
0x48: {  	_ =	shalt  }
0x49: {  	_ =	shalt  }
0x4a: {  	_ =	shalt  }
0x4b: {  	_ =	shalt  }
0x4c: {  	_ =	shalt  }
0x4d: {  	_ =	shalt  }
0x4e: {  	_ =	shalt  }
0x4f: {  	_ =	shalt  }
0x50: {  	_ =	shalt  }
0x51: {  	_ =	shalt  }
0x52: {  	_ =	shalt  }
0x53: {  	_ =	shalt  }
0x54: {  	_ =	shalt  }
0x55: {  	_ =	shalt  }
0x56: {  	_ =	shalt  }
0x57: {  	_ =	shalt  }
0x58: {  	_ =	shalt  }
0x59: {  	_ =	shalt  }
0x5a: {  	_ =	shalt  }
0x5b: {  	_ =	shalt  }
0x5c: {  	_ =	shalt  }
0x5d: {  	_ =	shalt  }
0x5e: {  	_ =	shalt  }
0x5f: {  	_ =	shalt  }
0x60: {  	_ =	shalt  }
0x61: {  	_ =	shalt  }
0x62: {  	_ =	shalt  }
0x63: {  	_ =	shalt  }
0x64: {  	_ =	shalt  }
0x65: {  	_ =	shalt  }
0x66: {  	_ =	shalt  }
0x67: {  	_ =	shalt  }
0x68: {  	_ =	shalt  }
0x69: {  	_ =	shalt  }
0x6a: {  	_ =	shalt  }
0x6b: {  	_ =	shalt  }
0x6c: {  	_ =	shalt  }
0x6d: {  	_ =	shalt  }
0x6e: {  	_ =	shalt  }
0x6f: {  	_ =	shalt  }
0x70: {  	_ =	shalt  }
0x71: {  	_ =	shalt  }
0x72: {  	_ =	shalt  }
0x73: {  	_ =	shalt  }
0x74: {  	_ =	shalt  }
0x75: {  	_ =	shalt  }
0x76: {  	_ =	shalt  }
0x77: {  	_ =	shalt  }
0x78: {  	_ =	shalt  }
0x79: {  	_ =	shalt  }
0x7a: {  	_ =	shalt  }
0x7b: {  	_ =	shalt  }
0x7c: {  	_ =	shalt  }
0x7d: {  	_ =	shalt  }
0x7e: {  	_ =	shalt  }
0x7f: {  	_ =	shalt  }
0x80: {  	_ =	shalt  }
0x81: {  	_ =	shalt  }
0x82: {  	_ =	shalt  }
0x83: {  	_ =	shalt  }
0x84: {  	_ =	shalt  }
0x85: {  	_ =	shalt  }
0x86: {  	_ =	shalt  }
0x87: {  	_ =	shalt  }
.Lfunc_end0:
.L_simem_size_0:
called_computation.2_lowered:
.L_overlay_start_0:
0x88: {  	s2 =	sld [smem:$0x3FD9]  }
0x89: {  	s3 =	sld [smem:$0x3FFE];
	_ =	sdelay $0x1  }
0x8a: {  	s1 =	srdreg.scid  }
0x8b: {  	s0 =	sand.u32 $0x1, s1  }
0x8c: {  	s17 =	sshll.u32 s0, $0xA;
	s2 =	sadd.s32 s3, s2  }
0x8d: {  	s2 =	sadd.s32 s2, s17  }
0x8e: {  	[smem:$0x3FC2] =	sst s2  }
0x8f: {  	_ = 	snop  }
0x90: {  	s2 =	sld [smem:$0x3FD0];
	(tm) =	ssettm $0x1  }
0x91: {  	s18 =	sld [smem:$0x3FFB];
	_ =	sdelay $0x3  }
0x92: {  	_ =	strace s18  }
0x93: {  	s3 =	sld [smem:$0x3FFC];
	_ =	sdelay $0x3  }
0x94: {  	_ =	strace s3  }
0x95: {  	s3 =	sld [smem:$0x3FFD];
	_ =	sdelay $0x3  }
0x96: {  	_ =	strace s3  }
0x97: {  	_ =	strace $0x8FFFFFFF  }
0x98: {  	s19 =	sld [smem:$0x3FDB];
	_ =	sdelay $0x1  }
0x99: {  	s4 =	simm.s32 $_scs_section_size  }
0x9a: {  	s5 =	simm.s32 $_size__tile_overlayer_lowered;
	s6 =	simm.s32 $_tile_overlayer_lowered  }
0x9b: {  	s22 =	simm.s32 $0x1BFF;
	s21 =	sshll.u32 s6, $0x1;
	s3 =	sadd.s32 s4, s19  }
0x9c: {  	s7 =	simm.s32 $0x0;
	s20 =	sshll.u32 s5, $0x1;
	s5 =	sadd.s32 s21, s3  }
0x9d: {  	[timem:s7], [sflag:s22] =	dma.local [hbm:s5], s20  }
0x9e: {  	_ =	swait.ge [sflag:s22], s20  }
0x9f: {  	s4 =	ssub.s32 $0x0, s20;
	[sflag:s22] =	ssyncset.done $0x0  }
0xa0: {  	[sflag:s22] =	ssyncadd.s32 s4;
	_ =	sdelay $0x1  }
0xa1: {  	s23 =	simm.s32 $0x1B8B  }
0xa2: {  	_ =	swait.ge [sflag:s23], $0x1  }
0xa3: {  	[sflag:s23] =	ssyncset.done $0x0  }
0xa4: {  	s25 =	simm.s32 $0x1B8E;
	s24 =	sld [smem:$0x3FFE];
	[sflag:s23] =	ssyncadd.s32 $0xFFFFFFFF  }
0xa5: {  	s26 =	simm.s32 $execute0_lowered;
	[smem:$0x3FD2] =	sst s25  }
0xa6: {  	s5 =	sshll.u32 s26, $0x1;
	_ =	strace $0x8000004C;
	[dreg:$0x1] =	wrdreg $0xFFFFFFFF  }
0xa7: {  	s28 =	simm.s32 $_size_execute0_lowered;
	s3 =	sadd.s32 s3, s5;
	[dreg:$0x0] =	wrdreg $0x0  }
0xa8: {  	s5 =	sshll.u32 s28, $0x1;
	[dreg:$0x2] =	wrdreg s3  }
0xa9: {  	[dreg:$0x3] =	wrdreg s5  }
0xaa: {  	[dreg:$0x4] =	wrdreg $0xC0  }
0xab: {  	_ =	task [dreg:s7], $0x5FFFF  }
0xac: {  	[dreg:$0x1] =	wrdreg $0xFFFFFFFF  }
0xad: {  	[dreg:$0x0] =	wrdreg $0x60  }
0xae: {  	[dreg:$0x2] =	wrdreg s24  }
0xaf: {  	[dreg:$0x3] =	wrdreg s2  }
0xb0: {  	[dreg:$0x4] =	wrdreg $0x8E800  }
0xb1: {  	[dreg:$0x5] =	wrdreg $0xB5900  }
0xb2: {  	[dreg:$0x6] =	wrdreg $0x9  }
0xb3: {  	_ =	task.clear_ibuf [dreg:s7], $0x7FFFF;
	_ =	strace $0x9000004C  }
0xb4: {  	s29 =	simm.s32 $0x9;
	_ =	strace $0x8000004E  }
0xb5: {  	_ =	swait.ge [sflag:s29], $0x1  }
0xb6: {  	[sflag:s29] =	ssyncadd.s32 $0xFFFFFFFF  }
0xb7: {  	_ =	strace $0x9000004E  }
0xb8: {  	_ =	sfence  }
0xb9: {  	s30 =	sld [smem:$0x0];
	_ =	sdelay $0x2  }
0xba: {  	s31 =	sshll.u32 s1, $0xD;
	s1 =	sshrl.u32 s1, $0x2  }
0xbb: {  	s3 =	sand.u32 $0x4000, s31;
	s1 =	sadd.s32 s1, s30  }
0xbc: {  	s0 =	sor.u32 s3, s0;
	s1 =	sshll.u32 s1, $0x11  }
0xbd: {  	s0 =	sor.u32 s1, s0  }
0xbe: {  	s0 =	sadd.s32 $0x8F2B, s0  }
0xbf: {  	[sflag:s0] =	ssyncadd.remote.s32 $0x1  }
0xc0: {  	_ =	sfence.sel $0xFFFF  }
0xc1: {  	[dreg:$0x0] =	wrdreg $0xFFFFFFFF;
	(pc) =	sbr.abs _section_cstart, $3  }
0xc2: {  	[dreg:$0x1] =	wrdreg $0xFFFFFFFF  }
0xc3: {  	_ =	task.clear_ibuf [dreg:s7], $0x2FFFF;
	_ =	strace $0x9FFFFFFF  }
0xc4: {  	(tm) =	ssettm $0x7FFFFFFF  }
0xc5: {  	_ =	shalt  }
tec
execute0_lowered:
.L_overlay_start_1:
0x0: {  	(tag) =	ssettag $0x1  }
0x1: {  	s1 =	rddreg [dreg:$0x0]  }
0x2: {  	s0 =	srdreg.scid;
	s5 =	rddreg [dreg:$0x1]  }
0x3: {  	s12 =	stileid.u32;
	s2 =	rddreg [dreg:$0x2]  }
0x4: {  	s16 =	simm.s32 $0x7D;
	s17 =	simm.s32 $0x5000;
	s19 =	simm.s32 $0x57D0  }
0x5: {  	s21 =	simm.s32 $0x5FA0;
	s28 =	simm.s32 $0x2;
	s22 =	simm.s32 $0x4  }
0x6: {  	s30 =	simm.s32 $0xD;
	s31 =	simm.s32 $0xE;
	s18 =	simm.s32 $0x10  }
0x7: {  	s20 =	simm.s32 $0x0;
	s0 =	sand.u32 $0x1, s0;
	s7 =	smul.u32 $0x2700, s12  }
0x8: {  	s29 =	sshll.u32 s12, $0x6;
	s3 =	sshll.u32 s0, $0x4;
	s8 =	smul.u32 $0x27100, s0  }
0x9: {  	s0 =	ssub.s32 $0x2, s0;
	s13 =	sor.u32 $0x1C11, s29;
	s4 =	sor.u32 s12, s3  }
0xa: {  	s3 =	rddreg [dreg:$0x3];
	s9 =	sshrl.u32 s7, $0x3;
	s10 =	sshrl.u32 s0, $0x1  }
0xb: {  	s24 =	sadd.s32 s7, s2;
	s12 =	simm.s32 $0x2800;
	s6 =	smul.u32 $0x2800, s4  }
0xc: {  	s4 =	simm.s32 $0x0;
	s8 =	sadd.s32 s7, s8;
	s11 =	sadd.s32 s9, s1  }
0xd: {  	s0 =	ssub.s32 s0, s10;
	s5 =	sadd.s32 s5, s9;
	s25 =	sadd.s32 s7, s3  }
0xe: {  	s14 =	sshrl.u32 s24, $0x3;
	s24 =	simm.s32 $0x1;
	[smem:$0x7FF] =	sst s4  }
0xf: {  	s8 =	sshrl.u32 s8, $0x3;
	s26 =	sadd.s32 $0x64400, s11;
	s0 =	smax.u32 s0, $0x1  }
0x10: {  	_ =	strace $0x8000004D;
	s6 =	sshrl.u32 s6, $0x3;
	[dreg:$0x7] =	wrdreg s5  }
0x11: {  	s11 =	simm.s32 $0x11;
	[dreg:$0x8] =	wrdreg s26;
	s6 =	sadd.s32 s6, s1  }
0x12: {  	s15 =	sshrl.u32 s25, $0x3;
	[dreg:$0xa] =	wrdreg s0;
	s23 =	sadd.s32 $0x2200, s6  }
0x13: {  	s1 =	sadd.s32 s8, s1;
	s6 =	sadd.s32 $0xC200, s6;
	[dreg:$0x5] =	wrdreg s23  }
0x14: {  	s0 =	simm.s32 $0xF;
	s1 =	sadd.s32 $0x69400, s1;
	[dreg:$0x6] =	wrdreg s6  }
0x15: {  	[dreg:$0x9] =	wrdreg s1;
	s23 =	simm.s32 $0x6770;
	s1 =	simm.s32 $0x3  }
.LBB2_1:
0x16: {  	s5 =	rddreg [dreg:$0x5]  }
0x17: {  	[tilespmem:s4], [sflag:$0x11] =	stream.linear.gather [hbm4b:s5+s4], $0x2800, $0x38;
	[tilespmem:$0xDCA0] =	vst v63  }
0x18: {  	_ =	swait.ge [sflag:s11], $0x2800  }
0x19: {  	[sflag:s11] =	ssyncset.done $0x0  }
0x1a: {  	s10 =	rddreg [dreg:$0x6];
	[sflag:s11] =	ssyncadd.s32 $0xFFFFD800  }
0x1b: {  	[tilespmem:s12], [sflag:$0x11] =	stream.linear.gather [hbm4b:s10+s4], $0x2800, $0x38;
	[tilespmem:$0xDCA0] =	vst v63  }
0x1c: {  	_ =	swait.ge [sflag:s11], $0x2800  }
0x1d: {  	[sflag:s11] =	ssyncset.done $0x0  }
0x1e: {  	s25 =	rddreg [dreg:$0x7];
	[sflag:s11] =	ssyncadd.s32 $0xFFFFD800  }
0x1f: {  	[spmem:s14], [sflag:s13] =	dma.local [hbm:s25], $0x500  }
0x20: {  	_ =	swait.ge [sflag:s11], $0x500  }
0x21: {  	[sflag:s11] =	ssyncset.done $0x0  }
0x22: {  	s26 =	rddreg [dreg:$0x8];
	[sflag:s11] =	ssyncadd.s32 $0xFFFFFB00  }
0x23: {  	[spmem:s15], [sflag:s13] =	dma.local [hbm:s26], $0x500  }
0x24: {  	_ =	swait.ge [sflag:s11], $0x500  }
0x25: {  	[sflag:s11] =	ssyncset.done $0x0  }
0x26: {  	[sflag:s11] =	ssyncadd.s32 $0xFFFFFB00  }
0x27: {  	[bflag:$0x0] =	sbarrier.arrive $0xFFFF  }
0x28: {  	[tilespmem:s17], [sflag:$0x1] =	stream.indirect.gather [spmem:s3], $0x10, s4, s16, $0xb8;
	[tilespmem:$0xDCA0] =	vst v63  }
0x29: {  	s6 =	simm.s32 $0x80  }
0x2a: {  	[tilespmem:s19], [sflag:$0x2] =	stream.indirect.gather [spmem:s3], $0x10, s6, s16, $0xb8;
	[tilespmem:$0xDCA0] =	vst v63  }
0x2b: {  	s7 =	simm.s32 $0x100  }
0x2c: {  	[tilespmem:s21], [sflag:$0x3] =	stream.indirect.gather [spmem:s3], $0x10, s7, s16, $0xb8;
	[tilespmem:$0xDCA0] =	vst v63  }
0x2d: {  	s8 =	simm.s32 $0x180  }
0x2e: {  	[tilespmem:s23], [sflag:$0x4] =	stream.indirect.gather [spmem:s3], $0x10, s8, s16, $0xb8;
	[tilespmem:$0xDCA0] =	vst v63  }
0x2f: {  	_ =	swait.ge [sflag:s24], $0x7D0  }
0x30: {  	[sflag:s24] =	ssyncset.done $0x0  }
0x31: {  	[sflag:s24] =	ssyncadd.s32 $0xFFFFF830  }
0x32: {  	[spmem:s2] =	stream.indirect.scatter.add.f32 [tilespmem:s17], [sflag:$0x9], $0x10, s12, s16, $0xb8;
	[tilespmem:$0xDCA0] =	vst v63  }
0x33: {  	s9 =	simm.s32 $0x200;
	s6 =	simm.s32 $0x6F40  }
0x34: {  	[tilespmem:s6], [sflag:$0x5] =	stream.indirect.gather [spmem:s3], $0x10, s9, s16, $0xb8;
	[tilespmem:$0xDCA0] =	vst v63  }
0x35: {  	_ =	swait.ge [sflag:s28], $0x7D0  }
0x36: {  	[sflag:s28] =	ssyncset.done $0x0  }
0x37: {  	s10 =	simm.s32 $0x2880;
	[sflag:s28] =	ssyncadd.s32 $0xFFFFF830  }
0x38: {  	[spmem:s2] =	stream.indirect.scatter.add.f32 [tilespmem:s19], [sflag:$0xA], $0x10, s10, s16, $0xb8;
	[tilespmem:$0xDCA0] =	vst v63  }
0x39: {  	s25 =	simm.s32 $0x280;
	s26 =	simm.s32 $0x7710  }
0x3a: {  	[tilespmem:s26], [sflag:$0x6] =	stream.indirect.gather [spmem:s3], $0x10, s25, s16, $0xb8;
	[tilespmem:$0xDCA0] =	vst v63  }
0x3b: {  	_ =	swait.ge [sflag:s1], $0x7D0  }
0x3c: {  	[sflag:s1] =	ssyncset.done $0x0  }
0x3d: {  	p0 =	por $0x0, $0x0;
	s6 =	simm.s32 $0x2900;
	[sflag:s1] =	ssyncadd.s32 $0xFFFFF830  }
0x3e: {  	[spmem:s2] =	stream.indirect.scatter.add.f32 [tilespmem:s21], [sflag:$0xB], $0x10, s6, s16, $0xb8;
	[tilespmem:$0xDCA0] =	vst v63  }
0x3f: {  	s7 =	simm.s32 $0x300;
	s8 =	simm.s32 $0x7EE0;
	s9 =	simm.s32 $0x2980  }
0x40: {  	[tilespmem:s8], [sflag:$0x7] =	stream.indirect.gather [spmem:s3], $0x10, s7, s16, $0xb8;
	[tilespmem:$0xDCA0] =	vst v63  }
0x41: {  	s10 =	simm.s32 $0x380;
	s26 =	simm.s32 $0x4;
	_ =	swait.ge [sflag:s22], $0x7D0  }
0x42: {  	s25 =	simm.s32 $0x86B0;
	s5 =	sand.u32 $0x7, s26;
	[sflag:s22] =	ssyncset.done $0x0  }
0x43: {  	s26 =	simm.s32 $0x9;
	s6 =	simm.s32 $0x8;
	[sflag:s22] =	ssyncadd.s32 $0xFFFFF830  }
0x44: {  	[spmem:s2] =	stream.indirect.scatter.add.f32 [tilespmem:s23], [sflag:$0xC], $0x10, s9, s16, $0xb8;
	[tilespmem:$0xDCA0] =	vst v63  }
0x45: {  	s29 =	sand.u32 @!p0 $0x7, s6;
	s7 =	smul.u32 $0x1F40, s5;
	s8 =	sadd.s32 $0x1, s5  }
0x46: {  	[tilespmem:s25], [sflag:$0x8] =	stream.indirect.gather [spmem:s3], $0x10, s10, s16, $0xb8;
	[tilespmem:$0xDCA0] =	vst v63  }
0x47: {  	s5 =	sadd.s32 $0x9, s5;
	s7 =	sshrl.u32 s7, $0x2;
	_ =	swait.ge [sflag:s8], $0x7D0  }
0x48: {  	s6 =	sadd.s32 @!p0 $0x9, s29;
	s7 =	sadd.s32 $0x5000, s7;
	[sflag:s8] =	ssyncset.done $0x0  }
0x49: {  	s9 =	simm.s32 $0x2A00;
	[sflag:s8] =	ssyncadd.s32 $0xFFFFF830;
	s8 =	smul.u32 @!p0 $0x1F40, s29  }
0x4a: {  	[spmem:s2] =	stream.indirect.scatter.add.f32 [tilespmem:s7], [sflag:s5], $0x10, s9, s16, $0xb8;
	[tilespmem:$0xDCA0] =	vst v63  }
0x4b: {  	s25 =	simm.s32 $0x400;
	s7 =	sadd.s32 @!p0 $0x1, s29;
	s29 =	simm.s32 $0x2A80  }
0x4c: {  	s9 =	simm.s32 @!p0 $0x7D;
	_ =	swait.ge @!p0 [sflag:s6], $0x7D0;
	s5 =	sshrl.u32 @!p0 s8, $0x2  }
0x4d: {  	[sflag:s6] =	ssyncset.done @!p0 $0x0;
	s8 =	sadd.s32 @!p0 $0x5000, s5;
	s5 =	simm.s32 $0x400  }
.LBB2_2:
0x4e: {  	[sflag:s6] =	ssyncadd.s32 @!p0 $0xFFFFF830  }
0x4f: {  	s25 =	sadd.s32 $0x80, s25;
	s6 =	smov.u32 s26;
	s26 =	sadd.s32 $0x1, s26  }
0x50: {  	[tilespmem:s8], [sflag:s7] =	stream.indirect.gather @!p0 [spmem:s3], $0x10, s5, s9, $0xb8;
	[tilespmem:$0xDCA0] =	vst v63  }
0x51: {  	s7 =	sadd.s32 $0xFFFFFFFC, s6;
	p1 =	sne.s32 s26, $0x54;
	s5 =	smov.u32 s25  }
0x52: {  	s8 =	sand.u32 $0x7, s7  }
0x53: {  	s9 =	smul.u32 $0x1F40, s8;
	s10 =	sadd.s32 $0x1, s8  }
0x54: {  	p0 =	sgt.u32 s7, $0x4B;
	s8 =	sadd.s32 $0x9, s8;
	_ =	swait.ge [sflag:s10], $0x7D0  }
0x55: {  	s7 =	sand.u32 @!p0 $0x7, s6;
	s9 =	sshrl.u32 s9, $0x2;
	[sflag:s10] =	ssyncset.done $0x0  }
.Ltmp0:
0x56: {  	s9 =	sadd.s32 $0x5000, s9;
	[sflag:s10] =	ssyncadd.s32 $0xFFFFF830;
	(pc) =	sbr.rel @p1 .LBB2_2-.Ltmp0, $4  }
0x57: {  	s6 =	sadd.s32 @!p0 $0x9, s7;
	s10 =	smul.u32 @!p0 $0x1F40, s7;
	s7 =	sadd.s32 @!p0 $0x1, s7  }
0x58: {  	[spmem:s2] =	stream.indirect.scatter.add.f32 [tilespmem:s9], [sflag:s8], $0x10, s29, s16, $0xb8;
	[tilespmem:$0xDCA0] =	vst v63  }
0x59: {  	s8 =	sshrl.u32 @!p0 s10, $0x2;
	s29 =	sadd.s32 $0x80, s29;
	_ =	swait.ge @!p0 [sflag:s6], $0x7D0  }
0x5a: {  	s9 =	simm.s32 @!p0 $0x7D;
	s8 =	sadd.s32 @!p0 $0x5000, s8;
	[sflag:s6] =	ssyncset.done @!p0 $0x0  }
0x5b: {  	[sflag:s6] =	ssyncadd.s32 @!p0 $0xFFFFF830  }
0x5c: {  	[tilespmem:s8], [sflag:s7] =	stream.indirect.gather @!p0 [spmem:s3], $0x10, s5, s9, $0xb8;
	[tilespmem:$0xDCA0] =	vst v63  }
0x5d: {  	_ =	swait.ge [sflag:s30], $0x7D0  }
0x5e: {  	[sflag:s30] =	ssyncset.done $0x0  }
0x5f: {  	[sflag:s30] =	ssyncadd.s32 $0xFFFFF830  }
0x60: {  	_ =	swait.ge [sflag:s31], $0x7D0  }
0x61: {  	[sflag:s31] =	ssyncset.done $0x0  }
0x62: {  	[sflag:s31] =	ssyncadd.s32 $0xFFFFF830  }
0x63: {  	_ =	swait.ge [sflag:s0], $0x7D0  }
0x64: {  	[sflag:s0] =	ssyncset.done $0x0  }
0x65: {  	[sflag:s0] =	ssyncadd.s32 $0xFFFFF830  }
0x66: {  	_ =	swait.ge [sflag:s18], $0x7D0  }
0x67: {  	[sflag:s18] =	ssyncset.done $0x0  }
0x68: {  	[sflag:s18] =	ssyncadd.s32 $0xFFFFF830  }
0x69: {  	[bflag:$0x0] =	sbarrier.arrive $0xFFFF  }
0x6a: {  	s26 =	rddreg [dreg:$0x9]  }
0x6b: {  	[hbm:s26], [sflag:s13] =	dma.local [spmem:s14], $0x500  }
0x6c: {  	_ =	swait.ge [sflag:s11], $0x500  }
0x6d: {  	s20 =	sadd.s32 $0x1, s20;
	s29 =	rddreg [dreg:$0xa]  }
0x6e: {  	p0 =	sne.s32 s20, s29  }
.Ltmp1:
0x6f: {  	_ = 	snop;
	(pc) =	sbr.rel @p0 .LBB2_1-.Ltmp1, $3  }
0x70: {  	_ =	sdelay $0x1  }
0x71: {  	[sflag:s11] =	ssyncset.done $0x0  }
0x72: {  	[sflag:s11] =	ssyncadd.s32 $0xFFFFFB00  }
0x73: {  	_ =	sfence.sel $0x180000  }
0x74: {  	[bflag:$0x0] =	sbarrier.arrive $0xFFFF  }
0x75: {  	_ =	strace $0x9000004D  }
0x76: {  	s0 =	stileid.u32;
	[bflag:$0x2] =	sbarrier.arrive $0xFFFF  }
0x77: {  	p0 =	sne.s32 s0, $0x0;
	s0 =	rddreg [dreg:$0x4]  }
0x78: {  	s0 =	sadd.s32 @!p0 $0x100000, s0  }
0x79: {  	[sflag:s0] =	ssyncadd.tile.s32 @!p0 $0x1;
	_ =	shalt  }
.Lfunc_end2:
_tile_overlayer_lowered:
.L_overlay_start_2:
0x7a: {  	(tag) =	ssettag $0x2  }
0x7b: {  	s0 =	rddreg [dreg:$0x0];
	s2 =	stileid.u32  }
0x7c: {  	s1 =	rddreg [dreg:$0x1];
	p0 =	sne.s32 s2, $0x0  }
0x7d: {  	s3 =	rddreg [dreg:$0x2];
	[bflag:$0x3] =	sbarrier.arrive $0xFFFF;
	s2 =	simm.s32 @!p0 $0x1C11  }
0x7e: {  	[timem:s3], [sflag:s2] =	dma.local @!p0 [hbm:s0], s1  }
0x7f: {  	s0 =	simm.s32 @!p0 $0x11  }
0x80: {  	_ =	swait.ge @!p0 [sflag:s0], s1  }
0x81: {  	s1 =	ssub.s32 @!p0 $0x0, s1;
	[sflag:s0] =	ssyncset.done @!p0 $0x0  }
0x82: {  	[sflag:s0] =	ssyncadd.s32 @!p0 s1  }
0x83: {  	[bflag:$0x3] =	sbarrier.arrive $0xFFFF  }
0x84: {  	_ =	shalt  }

// kernel: kernel.8.cloned.1.call-start
scs
__scs_entry_jumppad:
0x0: {  	(pc) =	sbr.rel $0x88, $3  }
0x1: {  	(tag) =	ssettag $0x0;
	lr =	simm.s32 $0x1  }
0x2: {  	[smem:$0x3F9B] =	sst lr;
	_ =	strace $0xD0000000  }
0x3: {  	_ = 	snop  }
0x4: {  	_ = 	snop  }
0x5: {  	_ = 	snop  }
0x6: {  	_ = 	snop  }
0x7: {  	_ = 	snop  }
__scs_overlays_trampoline_lowered:
0x8: {  	[smem:$0x3FAA] =	sst s0  }
0x9: {  	[smem:$0x3FAB] =	sst s1  }
0xa: {  	[smem:$0x3FAC] =	sst s2  }
0xb: {  	[smem:$0x3FAD] =	sst s3  }
0xc: {  	[smem:$0x3FAE] =	sst s4  }
0xd: {  	[smem:$0x3FAF] =	sst s5  }
0xe: {  	[smem:$0x3FB0] =	sst s6  }
0xf: {  	[smem:$0x3FB1] =	sst s7  }
0x10: {  	[smem:$0x3FB2] =	sst s8  }
0x11: {  	[smem:$0x3FB3] =	sst s9;
	s0 =	simm.s32 @!p0 $0x0  }
0x12: {  	s1 =	sld [smem:$0x3F99];
	s0 =	simm.s32 @p0 $0x1  }
0x13: {  	[smem:$0x3FB4] =	sst s0;
	s0 =	simm.s32 @!p1 $0x0  }
0x14: {  	s2 =	sld [smem:$0x3F98];
	s0 =	simm.s32 @p1 $0x1  }
0x15: {  	[smem:$0x3FB5] =	sst s0;
	s0 =	simm.s32 @!p2 $0x0  }
0x16: {  	s3 =	sld [smem:$0x3FDB];
	s0 =	simm.s32 @p2 $0x1  }
0x17: {  	s4 =	simm.s32 $0x1BF5;
	[smem:$0x3FB7] =	sst s0  }
0x18: {  	s0 =	sld [smem:$0x3F9A];
	_ =	swait.ge [sflag:s4], $0x0  }
0x19: {  	s7 =	sld [smem:$0x3F9B]  }
0x1a: {  	s8 =	sadd.s32 $0xFFFFE003, lr  }
0x1b: {  	s9 =	sadd.s32 $0xFFFFFEF7, lr;
	s5 =	simm.s32 $0xFFFFFFFF;
	p2 =	slt.u32 s8, $0xFFFFF086  }
0x1c: {  	p1 =	slt.u32 s9, $0xF7A;
	s5 =	simm.s32 @!p2 $0x0  }
0x1d: {  	s5 =	simm.s32 @p1 $0x1;
	p0 =	seq.s32 s7, s2  }
0x1e: {  	s7 =	smul.u32 @!p0 $0xF7A, s2;
	p2 =	seq.s32 @!p0 s5, $0x0  }
0x1f: {  	s9 =	smul.u32 $0xF7A, s1;
	s8 =	simm.s32 @!p0 $0x1BF5;
	p2 =	por !p2, p0  }
0x20: {  	[sflag:s8] =	ssyncset.s32 @!p0 $0xFFFFF086;
	s6 =	sadd.s32 @!p0 s3, s7;
	s7 =	simm.s32 @!p0 $0x108  }
0x21: {  	s3 =	sadd.s32 s3, s9;
	s6 =	sadd.s32 @!p0 $0x88, s6;
	s7 =	simm.s32 @p2 $0x1082  }
0x22: {  	[simem:s7], [sflag:s8] =	dma.local @!p0 [hbm:s6], $0xF7A  }
0x23: {  	s9 =	sor.u32 $0xD0000000, s2;
	s6 =	simm.s32 $0x108;
	_ =	swait.ge @!p0 [sflag:s8], $0x0  }
0x24: {  	s3 =	sadd.s32 $0x88, s3;
	s6 =	simm.s32 @!p1 $0x1082;
	[sflag:s4] =	ssyncset.s32 $0xFFFFF086  }
0x25: {  	[simem:s6], [sflag:s4] =	dma.local [hbm:s3], $0xF7A  }
0x26: {  	[smem:$0x3F9B] =	sst s1;
	(tag) =	ssettag s2;
	_ =	strace s9  }
0x27: {  	s1 =	sld [smem:$0x3FAB]  }
0x28: {  	s2 =	sld [smem:$0x3FAC]  }
0x29: {  	s4 =	sld [smem:$0x3FAE]  }
0x2a: {  	p0 =	seq.s32 s5, $0x0;
	s5 =	sld [smem:$0x3FAF]  }
0x2b: {  	s6 =	sld [smem:$0x3FB0]  }
0x2c: {  	s7 =	sld [smem:$0x3FB1]  }
0x2d: {  	s3 =	simm.s32 $0x108;
	s8 =	sld [smem:$0x3FB2]  }
0x2e: {  	s3 =	simm.s32 @!p0 $0x1082;
	s9 =	sld [smem:$0x3FB3]  }
0x2f: {  	lr =	sadd.s32 s0, s3;
	s0 =	sld [smem:$0x3FAA]  }
0x30: {  	s3 =	sld [smem:$0x3FAD]  }
0x31: {  	[smem:$0x3FB6] =	sst s10  }
0x32: {  	s10 =	sld [smem:$0x3FB4];
	_ =	sdelay $0x3  }
0x33: {  	p0 =	seq.s32 s10, $0x1;
	s10 =	sld [smem:$0x3FB6];
	_ =	sdelay $0x3  }
0x34: {  	[smem:$0x3FB6] =	sst s10  }
0x35: {  	s10 =	sld [smem:$0x3FB5];
	_ =	sdelay $0x3  }
0x36: {  	p1 =	seq.s32 s10, $0x1;
	s10 =	sld [smem:$0x3FB6];
	_ =	sdelay $0x3  }
0x37: {  	[smem:$0x3FB6] =	sst s10  }
0x38: {  	s10 =	sld [smem:$0x3FB7]  }
0x39: {  	_ = 	snop;
	(pc) =	sbr.ind lr, $3  }
0x3a: {  	_ = 	snop  }
0x3b: {  	_ = 	snop  }
0x3c: {  	p2 =	seq.s32 s10, $0x1;
	s10 =	sld [smem:$0x3FB6]  }
0x3d: {  	_ =	shalt  }
0x3e: {  	_ =	shalt  }
0x3f: {  	_ =	shalt  }
0x40: {  	_ =	shalt  }
0x41: {  	_ =	shalt  }
0x42: {  	_ =	shalt  }
0x43: {  	_ =	shalt  }
0x44: {  	_ =	shalt  }
0x45: {  	_ =	shalt  }
0x46: {  	_ =	shalt  }
0x47: {  	_ =	shalt  }
0x48: {  	_ =	shalt  }
0x49: {  	_ =	shalt  }
0x4a: {  	_ =	shalt  }
0x4b: {  	_ =	shalt  }
0x4c: {  	_ =	shalt  }
0x4d: {  	_ =	shalt  }
0x4e: {  	_ =	shalt  }
0x4f: {  	_ =	shalt  }
0x50: {  	_ =	shalt  }
0x51: {  	_ =	shalt  }
0x52: {  	_ =	shalt  }
0x53: {  	_ =	shalt  }
0x54: {  	_ =	shalt  }
0x55: {  	_ =	shalt  }
0x56: {  	_ =	shalt  }
0x57: {  	_ =	shalt  }
0x58: {  	_ =	shalt  }
0x59: {  	_ =	shalt  }
0x5a: {  	_ =	shalt  }
0x5b: {  	_ =	shalt  }
0x5c: {  	_ =	shalt  }
0x5d: {  	_ =	shalt  }
0x5e: {  	_ =	shalt  }
0x5f: {  	_ =	shalt  }
0x60: {  	_ =	shalt  }
0x61: {  	_ =	shalt  }
0x62: {  	_ =	shalt  }
0x63: {  	_ =	shalt  }
0x64: {  	_ =	shalt  }
0x65: {  	_ =	shalt  }
0x66: {  	_ =	shalt  }
0x67: {  	_ =	shalt  }
0x68: {  	_ =	shalt  }
0x69: {  	_ =	shalt  }
0x6a: {  	_ =	shalt  }
0x6b: {  	_ =	shalt  }
0x6c: {  	_ =	shalt  }
0x6d: {  	_ =	shalt  }
0x6e: {  	_ =	shalt  }
0x6f: {  	_ =	shalt  }
0x70: {  	_ =	shalt  }
0x71: {  	_ =	shalt  }
0x72: {  	_ =	shalt  }
0x73: {  	_ =	shalt  }
0x74: {  	_ =	shalt  }
0x75: {  	_ =	shalt  }
0x76: {  	_ =	shalt  }
0x77: {  	_ =	shalt  }
0x78: {  	_ =	shalt  }
0x79: {  	_ =	shalt  }
0x7a: {  	_ =	shalt  }
0x7b: {  	_ =	shalt  }
0x7c: {  	_ =	shalt  }
0x7d: {  	_ =	shalt  }
0x7e: {  	_ =	shalt  }
0x7f: {  	_ =	shalt  }
0x80: {  	_ =	shalt  }
0x81: {  	_ =	shalt  }
0x82: {  	_ =	shalt  }
0x83: {  	_ =	shalt  }
0x84: {  	_ =	shalt  }
0x85: {  	_ =	shalt  }
0x86: {  	_ =	shalt  }
0x87: {  	_ =	shalt  }
.Lfunc_end0:
.L_simem_size_0:
called_computation_lowered:
.L_overlay_start_0:
0x88: {  	s2 =	sld [smem:$0x3FD9]  }
0x89: {  	s3 =	sld [smem:$0x3FFE];
	_ =	sdelay $0x1  }
0x8a: {  	s1 =	srdreg.scid  }
0x8b: {  	s0 =	sand.u32 $0x1, s1  }
0x8c: {  	s17 =	sshll.u32 s0, $0xA;
	s2 =	sadd.s32 s3, s2  }
0x8d: {  	s2 =	sadd.s32 s2, s17  }
0x8e: {  	[smem:$0x3FC2] =	sst s2  }
0x8f: {  	_ = 	snop  }
0x90: {  	s2 =	sld [smem:$0x3FD0];
	(tm) =	ssettm $0x1  }
0x91: {  	s18 =	sld [smem:$0x3FFB];
	_ =	sdelay $0x3  }
0x92: {  	_ =	strace s18  }
0x93: {  	s3 =	sld [smem:$0x3FFC];
	_ =	sdelay $0x3  }
0x94: {  	_ =	strace s3  }
0x95: {  	s3 =	sld [smem:$0x3FFD];
	_ =	sdelay $0x3  }
0x96: {  	_ =	strace s3  }
0x97: {  	_ =	strace $0x8FFFFFFF  }
0x98: {  	s19 =	sld [smem:$0x3FDB];
	_ =	sdelay $0x1  }
0x99: {  	s4 =	simm.s32 $_scs_section_size  }
0x9a: {  	s5 =	simm.s32 $_size__tile_overlayer_lowered;
	s6 =	simm.s32 $_tile_overlayer_lowered  }
0x9b: {  	s22 =	simm.s32 $0x1BFF;
	s21 =	sshll.u32 s6, $0x1;
	s3 =	sadd.s32 s4, s19  }
0x9c: {  	s7 =	simm.s32 $0x0;
	s20 =	sshll.u32 s5, $0x1;
	s5 =	sadd.s32 s21, s3  }
0x9d: {  	[timem:s7], [sflag:s22] =	dma.local [hbm:s5], s20  }
0x9e: {  	_ =	swait.ge [sflag:s22], s20  }
0x9f: {  	s4 =	ssub.s32 $0x0, s20;
	[sflag:s22] =	ssyncset.done $0x0  }
0xa0: {  	[sflag:s22] =	ssyncadd.s32 s4;
	_ =	sdelay $0x1  }
0xa1: {  	s23 =	simm.s32 $0x1B8B  }
0xa2: {  	_ =	swait.ge [sflag:s23], $0x1  }
0xa3: {  	[sflag:s23] =	ssyncset.done $0x0  }
0xa4: {  	s25 =	simm.s32 $0x1B8E;
	s24 =	sld [smem:$0x3FFE];
	[sflag:s23] =	ssyncadd.s32 $0xFFFFFFFF  }
0xa5: {  	s26 =	simm.s32 $execute0_lowered;
	[smem:$0x3FD2] =	sst s25  }
0xa6: {  	s5 =	sshll.u32 s26, $0x1;
	_ =	strace $0x80000046;
	[dreg:$0x1] =	wrdreg $0xFFFFFFFF  }
0xa7: {  	s28 =	simm.s32 $_size_execute0_lowered;
	s3 =	sadd.s32 s3, s5;
	[dreg:$0x0] =	wrdreg $0x0  }
0xa8: {  	s5 =	sshll.u32 s28, $0x1;
	[dreg:$0x2] =	wrdreg s3  }
0xa9: {  	[dreg:$0x3] =	wrdreg s5  }
0xaa: {  	[dreg:$0x4] =	wrdreg $0xC0  }
0xab: {  	_ =	task [dreg:s7], $0x5FFFF  }
0xac: {  	[dreg:$0x1] =	wrdreg $0xFFFFFFFF  }
0xad: {  	[dreg:$0x0] =	wrdreg $0x60  }
0xae: {  	[dreg:$0x2] =	wrdreg s24  }
0xaf: {  	[dreg:$0x3] =	wrdreg s2  }
0xb0: {  	[dreg:$0x4] =	wrdreg $0x2FD00  }
0xb1: {  	[dreg:$0x5] =	wrdreg $0x9  }
0xb2: {  	_ =	task.clear_ibuf [dreg:s7], $0x6FFFF;
	_ =	strace $0x90000046  }
0xb3: {  	s29 =	simm.s32 $0x9;
	_ =	strace $0x80000048  }
0xb4: {  	_ =	swait.ge [sflag:s29], $0x1  }
0xb5: {  	[sflag:s29] =	ssyncadd.s32 $0xFFFFFFFF  }
0xb6: {  	_ =	strace $0x90000048  }
0xb7: {  	_ =	sfence  }
0xb8: {  	s30 =	sld [smem:$0x0];
	_ =	sdelay $0x2  }
0xb9: {  	s31 =	sshll.u32 s1, $0xD;
	s1 =	sshrl.u32 s1, $0x2  }
0xba: {  	s3 =	sand.u32 $0x4000, s31;
	s1 =	sadd.s32 s1, s30  }
0xbb: {  	s0 =	sor.u32 s3, s0;
	s1 =	sshll.u32 s1, $0x11  }
0xbc: {  	s0 =	sor.u32 s1, s0  }
0xbd: {  	s0 =	sadd.s32 $0x8F2B, s0  }
0xbe: {  	[sflag:s0] =	ssyncadd.remote.s32 $0x1  }
0xbf: {  	_ =	sfence.sel $0xFFFF  }
0xc0: {  	[dreg:$0x0] =	wrdreg $0xFFFFFFFF;
	(pc) =	sbr.abs _section_cstart, $3  }
0xc1: {  	[dreg:$0x1] =	wrdreg $0xFFFFFFFF  }
0xc2: {  	_ =	task.clear_ibuf [dreg:s7], $0x2FFFF;
	_ =	strace $0x9FFFFFFF  }
0xc3: {  	(tm) =	ssettm $0x7FFFFFFF  }
tec
execute0_lowered:
.L_overlay_start_1:
0x0: {  	(tag) =	ssettag $0x1  }
0x1: {  	s5 =	rddreg [dreg:$0x0]  }
0x2: {  	s6 =	rddreg [dreg:$0x1];
	s0 =	srdreg.scid  }
0x3: {  	s2 =	rddreg [dreg:$0x2];
	s1 =	stileid.u32  }
0x4: {  	s3 =	simm.s32 $0x0;
	s13 =	simm.s32 $0x7D;
	s14 =	simm.s32 $0x1  }
0x5: {  	s15 =	simm.s32 $0x0;
	s7 =	sand.u32 $0x1, s0;
	s0 =	rddreg [dreg:$0x3]  }
0x6: {  	s8 =	smul.u32 $0x2700, s1;
	[smem:$0x7FF] =	sst s3;
	s31 =	sshll.u32 s1, $0x6  }
0x7: {  	s4 =	sshll.u32 s7, $0x4;
	s9 =	smul.u32 $0x27100, s7;
	s7 =	ssub.s32 $0x2, s7  }
0x8: {  	_ =	strace $0x80000047;
	s4 =	sor.u32 s1, s4;
	s11 =	sshrl.u32 s7, $0x1  }
0x9: {  	s30 =	sshrl.u32 s8, $0x3;
	s12 =	sadd.s32 s8, s2;
	s10 =	smul.u32 $0x2800, s4  }
0xa: {  	s4 =	sadd.s32 $0x16200, s5;
	s9 =	sadd.s32 s8, s9;
	s29 =	ssub.s32 s7, s11  }
0xb: {  	s6 =	sadd.s32 s6, s30;
	s11 =	sor.u32 $0x1C02, s31;
	s9 =	sshrl.u32 s9, $0x3  }
0xc: {  	s12 =	sshrl.u32 s12, $0x3;
	s10 =	sshrl.u32 s10, $0x3;
	s9 =	sadd.s32 s9, s5  }
0xd: {  	s8 =	smax.u32 s29, $0x1;
	s5 =	sadd.s32 s5, s10;
	s7 =	sadd.s32 $0x16400, s9  }
0xe: {  	s9 =	simm.s32 $0x2;
	s10 =	simm.s32 $0x2800;
	s5 =	sadd.s32 $0xC200, s5  }
.LBB2_1:
0xf: {  	[tilespmem:s3], [sflag:$0x2] =	stream.linear.gather [hbm4b:s5+s3], $0x2800, $0x38;
	[tilespmem:$0x56E0] =	vst v63  }
0x10: {  	_ =	swait.ge [sflag:s9], $0x2800  }
0x11: {  	[sflag:s9] =	ssyncset.done $0x0  }
0x12: {  	[sflag:s9] =	ssyncadd.s32 $0xFFFFD800  }
0x13: {  	[tilespmem:s10], [sflag:$0x2] =	stream.linear.gather [hbm4b:s4+s3], $0x7D0, $0x38;
	[tilespmem:$0x56E0] =	vst v63  }
0x14: {  	_ =	swait.ge [sflag:s9], $0x7D0  }
0x15: {  	[sflag:s9] =	ssyncset.done $0x0  }
0x16: {  	[sflag:s9] =	ssyncadd.s32 $0xFFFFF830  }
0x17: {  	[spmem:s12], [sflag:s11] =	dma.local [hbm:s6], $0x500  }
0x18: {  	_ =	swait.ge [sflag:s9], $0x500  }
0x19: {  	[sflag:s9] =	ssyncset.done $0x0  }
0x1a: {  	[sflag:s9] =	ssyncadd.s32 $0xFFFFFB00  }
0x1b: {  	s16 =	simm.s32 $0x0;
	[bflag:$0x0] =	sbarrier.arrive $0xFFFF  }
0x1c: {  	[spmem:s2] =	stream.indirect.scatter.add.f32 [tilespmem:s10], [sflag:$0x1], $0x10, s16, s13, $0xb8;
	[tilespmem:$0x56E0] =	vst v63  }
0x1d: {  	s24 =	simm.s32 $0x80  }
0x1e: {  	[spmem:s2] =	stream.indirect.scatter.add.f32 [tilespmem:s10], [sflag:$0x1], $0x10, s24, s13, $0xb8;
	[tilespmem:$0x56E0] =	vst v63  }
0x1f: {  	s25 =	simm.s32 $0x100  }
0x20: {  	[spmem:s2] =	stream.indirect.scatter.add.f32 [tilespmem:s10], [sflag:$0x1], $0x10, s25, s13, $0xb8;
	[tilespmem:$0x56E0] =	vst v63  }
0x21: {  	s26 =	simm.s32 $0x180  }
0x22: {  	[spmem:s2] =	stream.indirect.scatter.add.f32 [tilespmem:s10], [sflag:$0x1], $0x10, s26, s13, $0xb8;
	[tilespmem:$0x56E0] =	vst v63  }
0x23: {  	s28 =	simm.s32 $0x200  }
0x24: {  	[spmem:s2] =	stream.indirect.scatter.add.f32 [tilespmem:s10], [sflag:$0x1], $0x10, s28, s13, $0xb8;
	[tilespmem:$0x56E0] =	vst v63  }
0x25: {  	s29 =	simm.s32 $0x280  }
0x26: {  	[spmem:s2] =	stream.indirect.scatter.add.f32 [tilespmem:s10], [sflag:$0x1], $0x10, s29, s13, $0xb8;
	[tilespmem:$0x56E0] =	vst v63  }
0x27: {  	s30 =	simm.s32 $0x300  }
0x28: {  	[spmem:s2] =	stream.indirect.scatter.add.f32 [tilespmem:s10], [sflag:$0x1], $0x10, s30, s13, $0xb8;
	[tilespmem:$0x56E0] =	vst v63  }
0x29: {  	s31 =	simm.s32 $0x380  }
0x2a: {  	[spmem:s2] =	stream.indirect.scatter.add.f32 [tilespmem:s10], [sflag:$0x1], $0x10, s31, s13, $0xb8;
	[tilespmem:$0x56E0] =	vst v63  }
0x2b: {  	_ =	swait.ge [sflag:s14], $0x7D0  }
0x2c: {  	[sflag:s14] =	ssyncset.done $0x0  }
0x2d: {  	[sflag:s14] =	ssyncadd.s32 $0xFFFFF830  }
0x2e: {  	_ =	swait.ge [sflag:s14], $0x7D0  }
0x2f: {  	[sflag:s14] =	ssyncset.done $0x0  }
0x30: {  	[sflag:s14] =	ssyncadd.s32 $0xFFFFF830  }
0x31: {  	_ =	swait.ge [sflag:s14], $0x7D0  }
0x32: {  	[sflag:s14] =	ssyncset.done $0x0  }
0x33: {  	[sflag:s14] =	ssyncadd.s32 $0xFFFFF830  }
0x34: {  	_ =	swait.ge [sflag:s14], $0x7D0  }
0x35: {  	[sflag:s14] =	ssyncset.done $0x0  }
0x36: {  	[sflag:s14] =	ssyncadd.s32 $0xFFFFF830  }
0x37: {  	_ =	swait.ge [sflag:s14], $0x7D0  }
0x38: {  	[sflag:s14] =	ssyncset.done $0x0  }
0x39: {  	[sflag:s14] =	ssyncadd.s32 $0xFFFFF830  }
0x3a: {  	_ =	swait.ge [sflag:s14], $0x7D0  }
0x3b: {  	[sflag:s14] =	ssyncset.done $0x0  }
0x3c: {  	[sflag:s14] =	ssyncadd.s32 $0xFFFFF830  }
0x3d: {  	_ =	swait.ge [sflag:s14], $0x7D0  }
0x3e: {  	[sflag:s14] =	ssyncset.done $0x0  }
0x3f: {  	[sflag:s14] =	ssyncadd.s32 $0xFFFFF830  }
0x40: {  	_ =	swait.ge [sflag:s14], $0x7D0  }
0x41: {  	s18 =	simm.s32 $0x2000;
	s16 =	simm.s32 $0x1000;
	[sflag:s14] =	ssyncset.done $0x0  }
.LBB2_2:
0x42: {  	s19 =	sshra.s32 s16, $0x2  }
0x43: {  	[sflag:s14] =	ssyncadd.s32 $0xFFFFF830;
	s16 =	smov.u32 s18;
	s17 =	sadd.s32 $0x1000, s18  }
0x44: {  	[spmem:s2] =	stream.indirect.scatter.add.f32 [tilespmem:s10], [sflag:$0x1], $0x10, s19, s13, $0xb8;
	[tilespmem:$0x56E0] =	vst v63  }
0x45: {  	p0 =	sne.s32 s18, $0x9000;
	s18 =	sadd.s32 $0x80, s19  }
0x46: {  	[spmem:s2] =	stream.indirect.scatter.add.f32 [tilespmem:s10], [sflag:$0x1], $0x10, s18, s13, $0xb8;
	[tilespmem:$0x56E0] =	vst v63  }
0x47: {  	s18 =	sadd.s32 $0x100, s19  }
0x48: {  	[spmem:s2] =	stream.indirect.scatter.add.f32 [tilespmem:s10], [sflag:$0x1], $0x10, s18, s13, $0xb8;
	[tilespmem:$0x56E0] =	vst v63  }
0x49: {  	s18 =	sadd.s32 $0x180, s19  }
0x4a: {  	[spmem:s2] =	stream.indirect.scatter.add.f32 [tilespmem:s10], [sflag:$0x1], $0x10, s18, s13, $0xb8;
	[tilespmem:$0x56E0] =	vst v63  }
0x4b: {  	s18 =	sadd.s32 $0x200, s19  }
0x4c: {  	[spmem:s2] =	stream.indirect.scatter.add.f32 [tilespmem:s10], [sflag:$0x1], $0x10, s18, s13, $0xb8;
	[tilespmem:$0x56E0] =	vst v63  }
0x4d: {  	s18 =	sadd.s32 $0x280, s19  }
0x4e: {  	[spmem:s2] =	stream.indirect.scatter.add.f32 [tilespmem:s10], [sflag:$0x1], $0x10, s18, s13, $0xb8;
	[tilespmem:$0x56E0] =	vst v63  }
0x4f: {  	s18 =	sadd.s32 $0x300, s19  }
0x50: {  	[spmem:s2] =	stream.indirect.scatter.add.f32 [tilespmem:s10], [sflag:$0x1], $0x10, s18, s13, $0xb8;
	[tilespmem:$0x56E0] =	vst v63  }
0x51: {  	s18 =	sadd.s32 $0x380, s19  }
0x52: {  	[spmem:s2] =	stream.indirect.scatter.add.f32 [tilespmem:s10], [sflag:$0x1], $0x10, s18, s13, $0xb8;
	[tilespmem:$0x56E0] =	vst v63  }
0x53: {  	_ =	swait.ge [sflag:s14], $0x7D0  }
0x54: {  	[sflag:s14] =	ssyncset.done $0x0  }
0x55: {  	[sflag:s14] =	ssyncadd.s32 $0xFFFFF830  }
0x56: {  	_ =	swait.ge [sflag:s14], $0x7D0  }
0x57: {  	[sflag:s14] =	ssyncset.done $0x0  }
0x58: {  	[sflag:s14] =	ssyncadd.s32 $0xFFFFF830  }
0x59: {  	_ =	swait.ge [sflag:s14], $0x7D0  }
0x5a: {  	[sflag:s14] =	ssyncset.done $0x0  }
0x5b: {  	[sflag:s14] =	ssyncadd.s32 $0xFFFFF830  }
0x5c: {  	_ =	swait.ge [sflag:s14], $0x7D0  }
0x5d: {  	[sflag:s14] =	ssyncset.done $0x0  }
0x5e: {  	[sflag:s14] =	ssyncadd.s32 $0xFFFFF830  }
0x5f: {  	_ =	swait.ge [sflag:s14], $0x7D0  }
0x60: {  	[sflag:s14] =	ssyncset.done $0x0  }
0x61: {  	[sflag:s14] =	ssyncadd.s32 $0xFFFFF830  }
0x62: {  	_ =	swait.ge [sflag:s14], $0x7D0  }
0x63: {  	[sflag:s14] =	ssyncset.done $0x0  }
0x64: {  	[sflag:s14] =	ssyncadd.s32 $0xFFFFF830  }
.Ltmp0:
0x65: {  	_ =	swait.ge [sflag:s14], $0x7D0;
	(pc) =	sbr.rel @p0 .LBB2_2-.Ltmp0, $4  }
0x66: {  	[sflag:s14] =	ssyncset.done $0x0  }
0x67: {  	[sflag:s14] =	ssyncadd.s32 $0xFFFFF830  }
0x68: {  	_ =	swait.ge [sflag:s14], $0x7D0  }
0x69: {  	s18 =	smov.u32 s17;
	[sflag:s14] =	ssyncset.done $0x0  }
0x6a: {  	s16 =	sshra.s32 s16, $0x2;
	[sflag:s14] =	ssyncadd.s32 $0xFFFFF830  }
0x6b: {  	[spmem:s2] =	stream.indirect.scatter.add.f32 [tilespmem:s10], [sflag:$0x1], $0x10, s16, s13, $0xb8;
	[tilespmem:$0x56E0] =	vst v63  }
0x6c: {  	s17 =	sadd.s32 $0x80, s16  }
0x6d: {  	[spmem:s2] =	stream.indirect.scatter.add.f32 [tilespmem:s10], [sflag:$0x1], $0x10, s17, s13, $0xb8;
	[tilespmem:$0x56E0] =	vst v63  }
0x6e: {  	s26 =	sadd.s32 $0x100, s16  }
0x6f: {  	[spmem:s2] =	stream.indirect.scatter.add.f32 [tilespmem:s10], [sflag:$0x1], $0x10, s26, s13, $0xb8;
	[tilespmem:$0x56E0] =	vst v63  }
0x70: {  	s28 =	sadd.s32 $0x180, s16  }
0x71: {  	[spmem:s2] =	stream.indirect.scatter.add.f32 [tilespmem:s10], [sflag:$0x1], $0x10, s28, s13, $0xb8;
	[tilespmem:$0x56E0] =	vst v63  }
0x72: {  	s29 =	sadd.s32 $0x200, s16  }
0x73: {  	[spmem:s2] =	stream.indirect.scatter.add.f32 [tilespmem:s10], [sflag:$0x1], $0x10, s29, s13, $0xb8;
	[tilespmem:$0x56E0] =	vst v63  }
0x74: {  	s30 =	sadd.s32 $0x280, s16  }
0x75: {  	[spmem:s2] =	stream.indirect.scatter.add.f32 [tilespmem:s10], [sflag:$0x1], $0x10, s30, s13, $0xb8;
	[tilespmem:$0x56E0] =	vst v63  }
0x76: {  	s31 =	sadd.s32 $0x300, s16  }
0x77: {  	[spmem:s2] =	stream.indirect.scatter.add.f32 [tilespmem:s10], [sflag:$0x1], $0x10, s31, s13, $0xb8;
	[tilespmem:$0x56E0] =	vst v63  }
0x78: {  	s16 =	sadd.s32 $0x380, s16  }
0x79: {  	[spmem:s2] =	stream.indirect.scatter.add.f32 [tilespmem:s10], [sflag:$0x1], $0x10, s16, s13, $0xb8;
	[tilespmem:$0x56E0] =	vst v63  }
0x7a: {  	_ =	swait.ge [sflag:s14], $0x7D0  }
0x7b: {  	[sflag:s14] =	ssyncset.done $0x0  }
0x7c: {  	[sflag:s14] =	ssyncadd.s32 $0xFFFFF830  }
0x7d: {  	_ =	swait.ge [sflag:s14], $0x7D0  }
0x7e: {  	[sflag:s14] =	ssyncset.done $0x0  }
0x7f: {  	[sflag:s14] =	ssyncadd.s32 $0xFFFFF830  }
0x80: {  	_ =	swait.ge [sflag:s14], $0x7D0  }
0x81: {  	[sflag:s14] =	ssyncset.done $0x0  }
0x82: {  	[sflag:s14] =	ssyncadd.s32 $0xFFFFF830  }
0x83: {  	_ =	swait.ge [sflag:s14], $0x7D0  }
0x84: {  	[sflag:s14] =	ssyncset.done $0x0  }
0x85: {  	[sflag:s14] =	ssyncadd.s32 $0xFFFFF830  }
0x86: {  	_ =	swait.ge [sflag:s14], $0x7D0  }
0x87: {  	[sflag:s14] =	ssyncset.done $0x0  }
0x88: {  	[sflag:s14] =	ssyncadd.s32 $0xFFFFF830  }
0x89: {  	_ =	swait.ge [sflag:s14], $0x7D0  }
0x8a: {  	[sflag:s14] =	ssyncset.done $0x0  }
0x8b: {  	[sflag:s14] =	ssyncadd.s32 $0xFFFFF830  }
0x8c: {  	_ =	swait.ge [sflag:s14], $0x7D0  }
0x8d: {  	[sflag:s14] =	ssyncset.done $0x0  }
0x8e: {  	[sflag:s14] =	ssyncadd.s32 $0xFFFFF830  }
0x8f: {  	_ =	swait.ge [sflag:s14], $0x7D0  }
0x90: {  	s15 =	sadd.s32 $0x1, s15;
	[sflag:s14] =	ssyncset.done $0x0  }
0x91: {  	p0 =	sne.s32 s15, s8;
	[sflag:s14] =	ssyncadd.s32 $0xFFFFF830  }
.Ltmp1:
0x92: {  	[bflag:$0x0] =	sbarrier.arrive $0xFFFF;
	(pc) =	sbr.rel @p0 .LBB2_1-.Ltmp1, $4  }
0x93: {  	[hbm:s7], [sflag:s11] =	dma.local [spmem:s12], $0x500  }
0x94: {  	_ =	swait.ge [sflag:s9], $0x500  }
0x95: {  	[sflag:s9] =	ssyncset.done $0x0  }
0x96: {  	[sflag:s9] =	ssyncadd.s32 $0xFFFFFB00  }
0x97: {  	_ =	sfence.sel $0x180000  }
0x98: {  	[bflag:$0x0] =	sbarrier.arrive $0xFFFF  }
0x99: {  	p0 =	sne.s32 s1, $0x0;
	_ =	strace $0x90000047  }
0x9a: {  	s0 =	sadd.s32 @!p0 $0x100000, s0;
	[bflag:$0x2] =	sbarrier.arrive $0xFFFF  }
0x9b: {  	[sflag:s0] =	ssyncadd.tile.s32 @!p0 $0x1;
	_ =	shalt  }
.Lfunc_end2:
_tile_overlayer_lowered:
.L_overlay_start_2:
0x9c: {  	(tag) =	ssettag $0x2  }
0x9d: {  	s0 =	rddreg [dreg:$0x0];
	s2 =	stileid.u32  }
0x9e: {  	s1 =	rddreg [dreg:$0x1];
	p0 =	sne.s32 s2, $0x0  }
0x9f: {  	s3 =	rddreg [dreg:$0x2];
	[bflag:$0x3] =	sbarrier.arrive $0xFFFF;
	s2 =	simm.s32 @!p0 $0x1C02  }
0xa0: {  	[timem:s3], [sflag:s2] =	dma.local @!p0 [hbm:s0], s1  }
0xa1: {  	s0 =	simm.s32 @!p0 $0x2  }
0xa2: {  	_ =	swait.ge @!p0 [sflag:s0], s1  }
0xa3: {  	s1 =	ssub.s32 @!p0 $0x0, s1;
	[sflag:s0] =	ssyncset.done @!p0 $0x0  }
0xa4: {  	[sflag:s0] =	ssyncadd.s32 @!p0 s1  }
0xa5: {  	[bflag:$0x3] =	sbarrier.arrive $0xFFFF  }
0xa6: {  	_ =	shalt  }

</sc_bundles>
